<compile_context>
chip_gen: v7x
topology: tpu7x:2x2x1
jax: 0.10.2.dev20260603
libtpu: 0.0.44.dev20260713+nightly
codegen_flags: <defaults>
</compile_context>

<pallas_src>
import functools

import jax
import jax.numpy as jnp
from jax import lax
from jax.experimental import pallas as pl
from jax.experimental.pallas import tpu as pltpu
from jax.experimental.pallas import tpu_sc as plsc

_AGE_VOCAB = (1, 18, 25, 35, 45, 50, 56)
_B = 16384
_NC, _NS, _L = 2, 16, 16
_NW = _NC * _NS
_BPW = _B // _NW
_PPW = _BPW // 2
_NCOMB = 24
_NPAIR = _NCOMB * _NCOMB
_RPT = _NPAIR // _NS


def _vgather(x, idx):
    return lax.gather(
        x, idx[:, None],
        dimension_numbers=lax.GatherDimensionNumbers(
            offset_dims=(), collapsed_slice_dims=(0,), start_index_map=(0,)),
        slice_sizes=(1,),
        mode=lax.GatherScatterMode.PROMISE_IN_BOUNDS,
    )


def _combined_index(a, g):
    aidx = jnp.zeros((_L,), jnp.int32)
    for j, v in enumerate(_AGE_VOCAB):
        aidx = aidx + jnp.where(a == v, j + 1, 0)
    gidx = jnp.where(g == 0, 1, 0) + jnp.where(g == 1, 2, 0)
    return aidx * 3 + gidx


def _make_lookup_kernel():
    mesh = plsc.VectorSubcoreMesh(core_axis_name="c", subcore_axis_name="s")

    @functools.partial(
        pl.kernel,
        mesh=mesh,
        out_type=jax.ShapeDtypeStruct((_B // 2, 128), jnp.float32),
        scratch_types=[
            pltpu.VMEM((_BPW,), jnp.int32),
            pltpu.VMEM((_BPW,), jnp.int32),
            pltpu.VMEM((8 * 32,), jnp.float32),
            pltpu.VMEM((3 * 32,), jnp.float32),
            pltpu.VMEM((_RPT, 128), jnp.float32),
            pltpu.VMEM((_PPW,), jnp.int32),
            pltpu.VMEM((_PPW, 128), jnp.float32),
            pltpu.VMEM_SHARED((_NPAIR, 128), jnp.float32),
            pltpu.SemaphoreType.DMA,
            pltpu.SemaphoreType.DMA,
            pltpu.SemaphoreType.DMA,
        ],
    )
    def body(age_t_hbm, gen_t_hbm, age_hbm, gen_hbm, out_hbm,
             ages_v, gens_v, at_v, gt_v, mine_v, pidx_v, rows_v, table_sh,
             sem_in, sem_tbl, sem_g):
        sid = lax.axis_index("s")
        wid = sid * _NC + lax.axis_index("c")
        base = wid * _BPW
        h_a = pltpu.async_copy(age_hbm.at[pl.ds(base, _BPW)], ages_v, sem_in)
        h_g = pltpu.async_copy(gen_hbm.at[pl.ds(base, _BPW)], gens_v, sem_in)
        h_at = pltpu.async_copy(age_t_hbm, at_v, sem_g)
        h_gt = pltpu.async_copy(gen_t_hbm, gt_v, sem_g)
        h_at.wait()
        h_gt.wait()

        def _build_row(j, _):
            r = sid * _RPT + j
            c0 = r // _NCOMB
            c1 = lax.rem(r, jnp.int32(_NCOMB))
            segs = ((at_v, c0 // 3), (gt_v, lax.rem(c0, jnp.int32(3))),
                    (at_v, c1 // 3), (gt_v, lax.rem(c1, jnp.int32(3))))
            for seg, (tref, trow) in enumerate(segs):
                for h in range(2):
                    mine_v[j, pl.ds(seg * 32 + h * _L, _L)] = (
                        tref[pl.ds(trow * 32 + h * _L, _L)])
            return _

        lax.fori_loop(0, _RPT, _build_row, None)
        h_tbl = pltpu.async_copy(
            mine_v, table_sh.at[pl.ds(sid * _RPT, _RPT)], sem_tbl)

        h_a.wait()
        h_g.wait()
        iota = lax.iota(jnp.int32, _L)
        idx16 = lax.rem(iota * 2, jnp.int32(_L))
        half = iota < 8

        def _pidx_chunk(k, _):
            s0 = pl.ds(k * 2 * _L, _L)
            s1 = pl.ds(k * 2 * _L + _L, _L)
            c0 = _combined_index(ages_v[s0], gens_v[s0])
            c1 = _combined_index(ages_v[s1], gens_v[s1])
            c_e = jnp.where(half, _vgather(c0, idx16), _vgather(c1, idx16))
            c_o = jnp.where(half, _vgather(c0, idx16 + 1),
                            _vgather(c1, idx16 + 1))
            pidx_v[pl.ds(k * _L, _L)] = c_e * _NCOMB + c_o
            return _

        lax.fori_loop(0, _PPW // _L, _pidx_chunk, None)
        h_tbl.wait()
        plsc.subcore_barrier()
        pltpu.async_copy(table_sh.at[pidx_v], rows_v, sem_g).wait()
        pltpu.sync_copy(rows_v, out_hbm.at[pl.ds(wid * _PPW, _PPW)])

    return body


_lookup = _make_lookup_kernel()


def kernel(bucketized_age, user_gender, age_table, gender_table):
    out2 = _lookup(
        jnp.reshape(age_table, (8 * 32,)),
        jnp.reshape(gender_table, (3 * 32,)),
        bucketized_age,
        user_gender,
    )
    return jnp.reshape(out2, (_B, 64))

# --- scband reference (transcript-rebuilt; emitter-appended) ---
"""Pipeline reference for scband-user-model-43937515438326 (READ-ONLY COPY).

The authoritative reference and input builder live on the scoring server;
editing this copy changes nothing except your own understanding.
"""

import jax, jax.numpy as jnp
import numpy as np

# Vocabularies (module-level globals in the original keras code)
AGE_VOCAB = jnp.array([1, 18, 25, 35, 45, 50, 56], dtype=jnp.int32)      # unique_bucketized_ages
GENDER_VOCAB = jnp.array([0, 1], dtype=jnp.int32)                        # unique_user_gender


def integer_lookup(values, vocab):
    # Faithful to tf.keras.layers.IntegerLookup(mask_token=None):
    # matched values -> 1-based index into vocab; unmatched -> 0 (OOV bucket)
    eq = values[:, None] == vocab[None, :]
    matched = eq.any(axis=1)
    idx = jnp.argmax(eq, axis=1) + 1
    return jnp.where(matched, idx, 0)


def setup_inputs(seed: int = 0) -> dict:
    key = jax.random.key(seed)
    k1, k2, k3, k4 = jax.random.split(key, 4)
    bucketized_age = jax.random.randint(k1, (16384,), 0, 60, dtype=jnp.int32)
    user_gender = jax.random.randint(k2, (16384,), 0, 2, dtype=jnp.int32)
    # Embedding tables: (len(vocab)+1, 32) to account for OOV index 0
    age_table = jax.random.normal(k3, (AGE_VOCAB.shape[0] + 1, 32), dtype=jnp.float32)
    gender_table = jax.random.normal(k4, (GENDER_VOCAB.shape[0] + 1, 32), dtype=jnp.float32)
    return {
        "bucketized_age": bucketized_age,
        "user_gender": user_gender,
        "age_table": age_table,
        "gender_table": gender_table,
    }


def reference(bucketized_age, user_gender, age_table, gender_table):
    age_idx = integer_lookup(bucketized_age, AGE_VOCAB)
    gender_idx = integer_lookup(user_gender, GENDER_VOCAB)
    age_emb = jnp.take(age_table, age_idx, axis=0)
    gender_emb = jnp.take(gender_table, gender_idx, axis=0)
    return jnp.concatenate([age_emb, gender_emb], axis=1)

if __name__ == "__main__":
    import jax
    _d = setup_inputs()
    print(jax.jit(kernel)(*tuple(_d.values())))

</pallas_src>

<mosaic_0001>
#map = affine_map<(d0, d1) -> (0)>
#map1 = affine_map<(d0, d1) -> (0, 0)>
module attributes {stable_mosaic.version = 14 : i64} {
  func.func @body(%arg0: i32, %arg1: i32, %arg2: memref<256xf32, #tpu.memory_space<hbm>>, %arg3: memref<96xf32, #tpu.memory_space<hbm>>, %arg4: memref<16384xi32, #tpu.memory_space<hbm>>, %arg5: memref<16384xi32, #tpu.memory_space<hbm>>, %arg6: memref<8192x128xf32, #tpu.memory_space<hbm>>, %arg7: memref<512xi32, #tpu.memory_space<vmem>>, %arg8: memref<512xi32, #tpu.memory_space<vmem>>, %arg9: memref<256xf32, #tpu.memory_space<vmem>>, %arg10: memref<96xf32, #tpu.memory_space<vmem>>, %arg11: memref<36x128xf32, #tpu.memory_space<vmem>>, %arg12: memref<256xi32, #tpu.memory_space<vmem>>, %arg13: memref<256x128xf32, #tpu.memory_space<vmem>>, %arg14: memref<576x128xf32, #tpu.memory_space<vmem_shared>>, %arg15: memref<!tpu.dma_semaphore, #tpu.memory_space<semaphore_mem>>, %arg16: memref<!tpu.dma_semaphore, #tpu.memory_space<semaphore_mem>>, %arg17: memref<!tpu.dma_semaphore, #tpu.memory_space<semaphore_mem>>) attributes {dimension_semantics = [#tpu.dimension_semantics<core_parallel>, #tpu.dimension_semantics<subcore_parallel>], iteration_bounds = array<i64: 2, 16>, scalar_prefetch = 0 : i64, scratch_operands = 11 : i64, tpu.core_type = #tpu.core_type<sc_vector_subcore>, window_params = [{transform_indices = #map}, {transform_indices = #map}, {transform_indices = #map}, {transform_indices = #map}, {transform_indices = #map1}]} {
    %mul3A = arith.constant 2 : i32
    %mul3A_0 = arith.muli %arg1, %mul3A : i32
    %add3A = arith.addi %mul3A_0, %arg0 : i32
    %mul3A_1 = arith.constant 512 : i32
    %mul3A_2 = arith.muli %add3A, %mul3A_1 : i32
    %dma_start3A = tpu.memref_slice %arg4[%mul3A_2] : memref<16384xi32, #tpu.memory_space<hbm>> -> memref<512xi32, #tpu.memory_space<hbm>>
    %dma_start3A_3 = tpu.memref_slice %arg4[%mul3A_2] : memref<16384xi32, #tpu.memory_space<hbm>> -> memref<512xi32, #tpu.memory_space<hbm>>
    tpu.enqueue_dma source(%dma_start3A_3 : memref<512xi32, #tpu.memory_space<hbm>>) target(%arg7 : memref<512xi32, #tpu.memory_space<vmem>>) target_semaphore(%arg15 : memref<!tpu.dma_semaphore, #tpu.memory_space<semaphore_mem>>)
    %dma_start3A_4 = tpu.memref_slice %arg5[%mul3A_2] : memref<16384xi32, #tpu.memory_space<hbm>> -> memref<512xi32, #tpu.memory_space<hbm>>
    %dma_start3A_5 = tpu.memref_slice %arg5[%mul3A_2] : memref<16384xi32, #tpu.memory_space<hbm>> -> memref<512xi32, #tpu.memory_space<hbm>>
    tpu.enqueue_dma source(%dma_start3A_5 : memref<512xi32, #tpu.memory_space<hbm>>) target(%arg8 : memref<512xi32, #tpu.memory_space<vmem>>) target_semaphore(%arg15 : memref<!tpu.dma_semaphore, #tpu.memory_space<semaphore_mem>>)
    tpu.enqueue_dma source(%arg2 : memref<256xf32, #tpu.memory_space<hbm>>) target(%arg9 : memref<256xf32, #tpu.memory_space<vmem>>) target_semaphore(%arg17 : memref<!tpu.dma_semaphore, #tpu.memory_space<semaphore_mem>>)
    tpu.enqueue_dma source(%arg3 : memref<96xf32, #tpu.memory_space<hbm>>) target(%arg10 : memref<96xf32, #tpu.memory_space<vmem>>) target_semaphore(%arg17 : memref<!tpu.dma_semaphore, #tpu.memory_space<semaphore_mem>>)
    tpu.wait_dma2 semaphore(%arg17 : memref<!tpu.dma_semaphore, #tpu.memory_space<semaphore_mem>>) src(%arg2 : memref<256xf32, #tpu.memory_space<hbm>>) dst(%arg9 : memref<256xf32, #tpu.memory_space<vmem>>)
    tpu.wait_dma2 semaphore(%arg17 : memref<!tpu.dma_semaphore, #tpu.memory_space<semaphore_mem>>) src(%arg3 : memref<96xf32, #tpu.memory_space<hbm>>) dst(%arg10 : memref<96xf32, #tpu.memory_space<vmem>>)
    %scan3A = arith.constant 0 : i32
    %scan3A_6 = arith.constant 36 : i32
    %scan3A_7 = arith.addi %scan3A, %scan3A_6 : i32
    %scan3A_8 = arith.constant 1 : i32
    scf.for %scan3A_43 = %scan3A to %scan3A_7 step %scan3A_8  : i32 {
      %mul3A_44 = arith.constant 36 : i32
      %mul3A_45 = arith.muli %arg1, %mul3A_44 : i32
      %add3A_46 = arith.addi %mul3A_45, %scan3A_43 : i32
      %jit3A = arith.constant 24 : i32
      %div3A = arith.divsi %add3A_46, %jit3A : i32
      %sign3A = arith.constant 0 : i32
      %sign3A_47 = arith.cmpi sgt, %add3A_46, %sign3A : i32
      %sign3A_48 = arith.extui %sign3A_47 : i1 to i32
      %sign3A_49 = arith.constant 0 : i32
      %sign3A_50 = arith.cmpi slt, %add3A_46, %sign3A_49 : i32
      %sign3A_51 = arith.extui %sign3A_50 : i1 to i32
      %sign3A_52 = arith.subi %sign3A_48, %sign3A_51 : i32
      %sign3A_53 = arith.constant 0 : i32
      %sign3A_54 = arith.cmpi sgt, %jit3A, %sign3A_53 : i32
      %sign3A_55 = arith.extui %sign3A_54 : i1 to i32
      %sign3A_56 = arith.constant 0 : i32
      %sign3A_57 = arith.cmpi slt, %jit3A, %sign3A_56 : i32
      %sign3A_58 = arith.extui %sign3A_57 : i1 to i32
      %sign3A_59 = arith.subi %sign3A_55, %sign3A_58 : i32
      %ne3A = arith.cmpi ne, %sign3A_52, %sign3A_59 : i32
      %rem3A_60 = arith.remsi %add3A_46, %jit3A : i32
      %ne3A_61 = arith.constant 0 : i32
      %ne3A_62 = arith.cmpi ne, %rem3A_60, %ne3A_61 : i32
      %and3A = arith.andi %ne3A, %ne3A_62 : i1
      %sub3A = arith.constant 1 : i32
      %sub3A_63 = arith.subi %div3A, %sub3A : i32
      %select_n3A = arith.select %and3A, %sub3A_63, %div3A : i32
      %rem3A_64 = arith.constant 24 : i32
      %rem3A_65 = arith.remsi %add3A_46, %rem3A_64 : i32
      %jit3A_66 = arith.constant 3 : i32
      %div3A_67 = arith.divsi %select_n3A, %jit3A_66 : i32
      %sign3A_68 = arith.constant 0 : i32
      %sign3A_69 = arith.cmpi sgt, %select_n3A, %sign3A_68 : i32
      %sign3A_70 = arith.extui %sign3A_69 : i1 to i32
      %sign3A_71 = arith.constant 0 : i32
      %sign3A_72 = arith.cmpi slt, %select_n3A, %sign3A_71 : i32
      %sign3A_73 = arith.extui %sign3A_72 : i1 to i32
      %sign3A_74 = arith.subi %sign3A_70, %sign3A_73 : i32
      %sign3A_75 = arith.constant 0 : i32
      %sign3A_76 = arith.cmpi sgt, %jit3A_66, %sign3A_75 : i32
      %sign3A_77 = arith.extui %sign3A_76 : i1 to i32
      %sign3A_78 = arith.constant 0 : i32
      %sign3A_79 = arith.cmpi slt, %jit3A_66, %sign3A_78 : i32
      %sign3A_80 = arith.extui %sign3A_79 : i1 to i32
      %sign3A_81 = arith.subi %sign3A_77, %sign3A_80 : i32
      %ne3A_82 = arith.cmpi ne, %sign3A_74, %sign3A_81 : i32
      %rem3A_83 = arith.remsi %select_n3A, %jit3A_66 : i32
      %ne3A_84 = arith.constant 0 : i32
      %ne3A_85 = arith.cmpi ne, %rem3A_83, %ne3A_84 : i32
      %and3A_86 = arith.andi %ne3A_82, %ne3A_85 : i1
      %sub3A_87 = arith.constant 1 : i32
      %sub3A_88 = arith.subi %div3A_67, %sub3A_87 : i32
      %select_n3A_89 = arith.select %and3A_86, %sub3A_88, %div3A_67 : i32
      %rem3A_90 = arith.constant 3 : i32
      %rem3A_91 = arith.remsi %select_n3A, %rem3A_90 : i32
      %jit3A_92 = arith.constant 3 : i32
      %div3A_93 = arith.divsi %rem3A_65, %jit3A_92 : i32
      %sign3A_94 = arith.constant 0 : i32
      %sign3A_95 = arith.cmpi sgt, %rem3A_65, %sign3A_94 : i32
      %sign3A_96 = arith.extui %sign3A_95 : i1 to i32
      %sign3A_97 = arith.constant 0 : i32
      %sign3A_98 = arith.cmpi slt, %rem3A_65, %sign3A_97 : i32
      %sign3A_99 = arith.extui %sign3A_98 : i1 to i32
      %sign3A_100 = arith.subi %sign3A_96, %sign3A_99 : i32
      %sign3A_101 = arith.constant 0 : i32
      %sign3A_102 = arith.cmpi sgt, %jit3A_92, %sign3A_101 : i32
      %sign3A_103 = arith.extui %sign3A_102 : i1 to i32
      %sign3A_104 = arith.constant 0 : i32
      %sign3A_105 = arith.cmpi slt, %jit3A_92, %sign3A_104 : i32
      %sign3A_106 = arith.extui %sign3A_105 : i1 to i32
      %sign3A_107 = arith.subi %sign3A_103, %sign3A_106 : i32
      %ne3A_108 = arith.cmpi ne, %sign3A_100, %sign3A_107 : i32
      %rem3A_109 = arith.remsi %rem3A_65, %jit3A_92 : i32
      %ne3A_110 = arith.constant 0 : i32
      %ne3A_111 = arith.cmpi ne, %rem3A_109, %ne3A_110 : i32
      %and3A_112 = arith.andi %ne3A_108, %ne3A_111 : i1
      %sub3A_113 = arith.constant 1 : i32
      %sub3A_114 = arith.subi %div3A_93, %sub3A_113 : i32
      %select_n3A_115 = arith.select %and3A_112, %sub3A_114, %div3A_93 : i32
      %rem3A_116 = arith.constant 3 : i32
      %rem3A_117 = arith.remsi %rem3A_65, %rem3A_116 : i32
      %mul3A_118 = arith.constant 32 : i32
      %mul3A_119 = arith.muli %select_n3A_89, %mul3A_118 : i32
      %add3A_120 = arith.constant 0 : i32
      %add3A_121 = arith.addi %mul3A_119, %add3A_120 : i32
      %get3A = arith.index_cast %add3A_121 : i32 to index
      %get3A_122 = tpu.vector_load %arg9[%get3A] {strides = array<i32>} : memref<256xf32, #tpu.memory_space<vmem>>, vector<16xf32>,
      %get3A_123 = vector.shape_cast %get3A_122 : vector<16xf32> to vector<16xf32>
      %swap3A = arith.index_cast %scan3A_43 : i32 to index
      %swap3A_124 = arith.constant 0 : index
      %swap3A_125 = tpu.vector_load %arg11[%swap3A, %swap3A_124] {strides = array<i32>} : memref<36x128xf32, #tpu.memory_space<vmem>>, vector<1x16xf32>,
      %swap3A_126 = vector.shape_cast %swap3A_125 : vector<1x16xf32> to vector<16xf32>
      %swap3A_127 = vector.shape_cast %get3A_123 : vector<16xf32> to vector<1x16xf32>
      tpu.vector_store %arg11[%swap3A, %swap3A_124], %swap3A_127 {strides = array<i32>} : memref<36x128xf32, #tpu.memory_space<vmem>>, vector<1x16xf32>,
      %mul3A_128 = arith.constant 32 : i32
      %mul3A_129 = arith.muli %select_n3A_89, %mul3A_128 : i32
      %add3A_130 = arith.constant 16 : i32
      %add3A_131 = arith.addi %mul3A_129, %add3A_130 : i32
      %get3A_132 = arith.index_cast %add3A_131 : i32 to index
      %get3A_133 = tpu.vector_load %arg9[%get3A_132] {strides = array<i32>} : memref<256xf32, #tpu.memory_space<vmem>>, vector<16xf32>,
      %get3A_134 = vector.shape_cast %get3A_133 : vector<16xf32> to vector<16xf32>
      %swap3A_135 = arith.index_cast %scan3A_43 : i32 to index
      %swap3A_136 = arith.constant 16 : index
      %swap3A_137 = tpu.vector_load %arg11[%swap3A_135, %swap3A_136] {strides = array<i32>} : memref<36x128xf32, #tpu.memory_space<vmem>>, vector<1x16xf32>,
      %swap3A_138 = vector.shape_cast %swap3A_137 : vector<1x16xf32> to vector<16xf32>
      %swap3A_139 = vector.shape_cast %get3A_134 : vector<16xf32> to vector<1x16xf32>
      tpu.vector_store %arg11[%swap3A_135, %swap3A_136], %swap3A_139 {strides = array<i32>} : memref<36x128xf32, #tpu.memory_space<vmem>>, vector<1x16xf32>,
      %mul3A_140 = arith.constant 32 : i32
      %mul3A_141 = arith.muli %rem3A_91, %mul3A_140 : i32
      %add3A_142 = arith.constant 0 : i32
      %add3A_143 = arith.addi %mul3A_141, %add3A_142 : i32
      %get3A_144 = arith.index_cast %add3A_143 : i32 to index
      %get3A_145 = tpu.vector_load %arg10[%get3A_144] {strides = array<i32>} : memref<96xf32, #tpu.memory_space<vmem>>, vector<16xf32>,
      %get3A_146 = vector.shape_cast %get3A_145 : vector<16xf32> to vector<16xf32>
      %swap3A_147 = arith.index_cast %scan3A_43 : i32 to index
      %swap3A_148 = arith.constant 32 : index
      %swap3A_149 = tpu.vector_load %arg11[%swap3A_147, %swap3A_148] {strides = array<i32>} : memref<36x128xf32, #tpu.memory_space<vmem>>, vector<1x16xf32>,
      %swap3A_150 = vector.shape_cast %swap3A_149 : vector<1x16xf32> to vector<16xf32>
      %swap3A_151 = vector.shape_cast %get3A_146 : vector<16xf32> to vector<1x16xf32>
      tpu.vector_store %arg11[%swap3A_147, %swap3A_148], %swap3A_151 {strides = array<i32>} : memref<36x128xf32, #tpu.memory_space<vmem>>, vector<1x16xf32>,
      %mul3A_152 = arith.constant 32 : i32
      %mul3A_153 = arith.muli %rem3A_91, %mul3A_152 : i32
      %add3A_154 = arith.constant 16 : i32
      %add3A_155 = arith.addi %mul3A_153, %add3A_154 : i32
      %get3A_156 = arith.index_cast %add3A_155 : i32 to index
      %get3A_157 = tpu.vector_load %arg10[%get3A_156] {strides = array<i32>} : memref<96xf32, #tpu.memory_space<vmem>>, vector<16xf32>,
      %get3A_158 = vector.shape_cast %get3A_157 : vector<16xf32> to vector<16xf32>
      %swap3A_159 = arith.index_cast %scan3A_43 : i32 to index
      %swap3A_160 = arith.constant 48 : index
      %swap3A_161 = tpu.vector_load %arg11[%swap3A_159, %swap3A_160] {strides = array<i32>} : memref<36x128xf32, #tpu.memory_space<vmem>>, vector<1x16xf32>,
      %swap3A_162 = vector.shape_cast %swap3A_161 : vector<1x16xf32> to vector<16xf32>
      %swap3A_163 = vector.shape_cast %get3A_158 : vector<16xf32> to vector<1x16xf32>
      tpu.vector_store %arg11[%swap3A_159, %swap3A_160], %swap3A_163 {strides = array<i32>} : memref<36x128xf32, #tpu.memory_space<vmem>>, vector<1x16xf32>,
      %mul3A_164 = arith.constant 32 : i32
      %mul3A_165 = arith.muli %select_n3A_115, %mul3A_164 : i32
      %add3A_166 = arith.constant 0 : i32
      %add3A_167 = arith.addi %mul3A_165, %add3A_166 : i32
      %get3A_168 = arith.index_cast %add3A_167 : i32 to index
      %get3A_169 = tpu.vector_load %arg9[%get3A_168] {strides = array<i32>} : memref<256xf32, #tpu.memory_space<vmem>>, vector<16xf32>,
      %get3A_170 = vector.shape_cast %get3A_169 : vector<16xf32> to vector<16xf32>
      %swap3A_171 = arith.index_cast %scan3A_43 : i32 to index
      %swap3A_172 = arith.constant 64 : index
      %swap3A_173 = tpu.vector_load %arg11[%swap3A_171, %swap3A_172] {strides = array<i32>} : memref<36x128xf32, #tpu.memory_space<vmem>>, vector<1x16xf32>,
      %swap3A_174 = vector.shape_cast %swap3A_173 : vector<1x16xf32> to vector<16xf32>
      %swap3A_175 = vector.shape_cast %get3A_170 : vector<16xf32> to vector<1x16xf32>
      tpu.vector_store %arg11[%swap3A_171, %swap3A_172], %swap3A_175 {strides = array<i32>} : memref<36x128xf32, #tpu.memory_space<vmem>>, vector<1x16xf32>,
      %mul3A_176 = arith.constant 32 : i32
      %mul3A_177 = arith.muli %select_n3A_115, %mul3A_176 : i32
      %add3A_178 = arith.constant 16 : i32
      %add3A_179 = arith.addi %mul3A_177, %add3A_178 : i32
      %get3A_180 = arith.index_cast %add3A_179 : i32 to index
      %get3A_181 = tpu.vector_load %arg9[%get3A_180] {strides = array<i32>} : memref<256xf32, #tpu.memory_space<vmem>>, vector<16xf32>,
      %get3A_182 = vector.shape_cast %get3A_181 : vector<16xf32> to vector<16xf32>
      %swap3A_183 = arith.index_cast %scan3A_43 : i32 to index
      %swap3A_184 = arith.constant 80 : index
      %swap3A_185 = tpu.vector_load %arg11[%swap3A_183, %swap3A_184] {strides = array<i32>} : memref<36x128xf32, #tpu.memory_space<vmem>>, vector<1x16xf32>,
      %swap3A_186 = vector.shape_cast %swap3A_185 : vector<1x16xf32> to vector<16xf32>
      %swap3A_187 = vector.shape_cast %get3A_182 : vector<16xf32> to vector<1x16xf32>
      tpu.vector_store %arg11[%swap3A_183, %swap3A_184], %swap3A_187 {strides = array<i32>} : memref<36x128xf32, #tpu.memory_space<vmem>>, vector<1x16xf32>,
      %mul3A_188 = arith.constant 32 : i32
      %mul3A_189 = arith.muli %rem3A_117, %mul3A_188 : i32
      %add3A_190 = arith.constant 0 : i32
      %add3A_191 = arith.addi %mul3A_189, %add3A_190 : i32
      %get3A_192 = arith.index_cast %add3A_191 : i32 to index
      %get3A_193 = tpu.vector_load %arg10[%get3A_192] {strides = array<i32>} : memref<96xf32, #tpu.memory_space<vmem>>, vector<16xf32>,
      %get3A_194 = vector.shape_cast %get3A_193 : vector<16xf32> to vector<16xf32>
      %swap3A_195 = arith.index_cast %scan3A_43 : i32 to index
      %swap3A_196 = arith.constant 96 : index
      %swap3A_197 = tpu.vector_load %arg11[%swap3A_195, %swap3A_196] {strides = array<i32>} : memref<36x128xf32, #tpu.memory_space<vmem>>, vector<1x16xf32>,
      %swap3A_198 = vector.shape_cast %swap3A_197 : vector<1x16xf32> to vector<16xf32>
      %swap3A_199 = vector.shape_cast %get3A_194 : vector<16xf32> to vector<1x16xf32>
      tpu.vector_store %arg11[%swap3A_195, %swap3A_196], %swap3A_199 {strides = array<i32>} : memref<36x128xf32, #tpu.memory_space<vmem>>, vector<1x16xf32>,
      %mul3A_200 = arith.constant 32 : i32
      %mul3A_201 = arith.muli %rem3A_117, %mul3A_200 : i32
      %add3A_202 = arith.constant 16 : i32
      %add3A_203 = arith.addi %mul3A_201, %add3A_202 : i32
      %get3A_204 = arith.index_cast %add3A_203 : i32 to index
      %get3A_205 = tpu.vector_load %arg10[%get3A_204] {strides = array<i32>} : memref<96xf32, #tpu.memory_space<vmem>>, vector<16xf32>,
      %get3A_206 = vector.shape_cast %get3A_205 : vector<16xf32> to vector<16xf32>
      %swap3A_207 = arith.index_cast %scan3A_43 : i32 to index
      %swap3A_208 = arith.constant 112 : index
      %swap3A_209 = tpu.vector_load %arg11[%swap3A_207, %swap3A_208] {strides = array<i32>} : memref<36x128xf32, #tpu.memory_space<vmem>>, vector<1x16xf32>,
      %swap3A_210 = vector.shape_cast %swap3A_209 : vector<1x16xf32> to vector<16xf32>
      %swap3A_211 = vector.shape_cast %get3A_206 : vector<16xf32> to vector<1x16xf32>
      tpu.vector_store %arg11[%swap3A_207, %swap3A_208], %swap3A_211 {strides = array<i32>} : memref<36x128xf32, #tpu.memory_space<vmem>>, vector<1x16xf32>,
    }
    %scan3A_9 = arith.constant 36 : i32
    %mul3A_10 = arith.constant 36 : i32
    %mul3A_11 = arith.muli %arg1, %mul3A_10 : i32
    %dma_start3A_12 = arith.constant 0 : i32
    %dma_start3A_13 = tpu.memref_slice %arg14[%mul3A_11, %dma_start3A_12] : memref<576x128xf32, #tpu.memory_space<vmem_shared>> -> memref<36x128xf32, #tpu.memory_space<vmem_shared>>
    %dma_start3A_14 = arith.constant 0 : i32
    %dma_start3A_15 = tpu.memref_slice %arg14[%mul3A_11, %dma_start3A_14] : memref<576x128xf32, #tpu.memory_space<vmem_shared>> -> memref<36x128xf32, #tpu.memory_space<vmem_shared>>
    tpu.enqueue_dma source(%arg11 : memref<36x128xf32, #tpu.memory_space<vmem>>) target(%dma_start3A_15 : memref<36x128xf32, #tpu.memory_space<vmem_shared>>) target_semaphore(%arg16 : memref<!tpu.dma_semaphore, #tpu.memory_space<semaphore_mem>>)
    %dma_wait3A = tpu.memref_slice %arg4[%mul3A_2] : memref<16384xi32, #tpu.memory_space<hbm>> -> memref<512xi32, #tpu.memory_space<hbm>>
    %dma_wait3A_16 = tpu.memref_slice %arg4[%mul3A_2] : memref<16384xi32, #tpu.memory_space<hbm>> -> memref<512xi32, #tpu.memory_space<hbm>>
    tpu.wait_dma2 semaphore(%arg15 : memref<!tpu.dma_semaphore, #tpu.memory_space<semaphore_mem>>) src(%dma_wait3A_16 : memref<512xi32, #tpu.memory_space<hbm>>) dst(%arg7 : memref<512xi32, #tpu.memory_space<vmem>>)
    %dma_wait3A_17 = tpu.memref_slice %arg5[%mul3A_2] : memref<16384xi32, #tpu.memory_space<hbm>> -> memref<512xi32, #tpu.memory_space<hbm>>
    %dma_wait3A_18 = tpu.memref_slice %arg5[%mul3A_2] : memref<16384xi32, #tpu.memory_space<hbm>> -> memref<512xi32, #tpu.memory_space<hbm>>
    tpu.wait_dma2 semaphore(%arg15 : memref<!tpu.dma_semaphore, #tpu.memory_space<semaphore_mem>>) src(%dma_wait3A_18 : memref<512xi32, #tpu.memory_space<hbm>>) dst(%arg8 : memref<512xi32, #tpu.memory_space<vmem>>)
    %iota3A = tpu.iota {dimensions = array<i32: 0>} : vector<16xi32>
    %mul3A_19 = arith.constant 2 : i32
    %mul3A_20 = vector.broadcast %mul3A_19 : i32 to vector<16xi32>
    %mul3A_21 = arith.muli %iota3A, %mul3A_20 : vector<16xi32>
    %rem3A = arith.constant 16 : i32
    %rem3A_22 = vector.broadcast %rem3A : i32 to vector<16xi32>
    %rem3A_23 = arith.remsi %mul3A_21, %rem3A_22 : vector<16xi32>
    %lt3A = arith.constant 8 : i32
    %lt3A_24 = vector.broadcast %lt3A : i32 to vector<16xi32>
    %lt3A_25 = arith.cmpi slt, %iota3A, %lt3A_24 : vector<16xi32>
    %scan3A_26 = arith.constant 0 : i32
    %scan3A_27 = arith.constant 16 : i32
    %scan3A_28 = arith.addi %scan3A_26, %scan3A_27 : i32
    %scan3A_29 = arith.constant 1 : i32
    scf.for %scan3A_43 = %scan3A_26 to %scan3A_28 step %scan3A_29  : i32 {
      %mul3A_44 = arith.constant 2 : i32
      %mul3A_45 = arith.muli %scan3A_43, %mul3A_44 : i32
      %mul3A_46 = arith.constant 16 : i32
      %mul3A_47 = arith.muli %mul3A_45, %mul3A_46 : i32
      %mul3A_48 = arith.constant 2 : i32
      %mul3A_49 = arith.muli %scan3A_43, %mul3A_48 : i32
      %mul3A_50 = arith.constant 16 : i32
      %mul3A_51 = arith.muli %mul3A_49, %mul3A_50 : i32
      %add3A_52 = arith.constant 16 : i32
      %add3A_53 = arith.addi %mul3A_51, %add3A_52 : i32
      %get3A = arith.index_cast %mul3A_47 : i32 to index
      %get3A_54 = tpu.vector_load %arg7[%get3A] {strides = array<i32>} : memref<512xi32, #tpu.memory_space<vmem>>, vector<16xi32>,
      %get3A_55 = vector.shape_cast %get3A_54 : vector<16xi32> to vector<16xi32>
      %get3A_56 = arith.index_cast %mul3A_47 : i32 to index
      %get3A_57 = tpu.vector_load %arg8[%get3A_56] {strides = array<i32>} : memref<512xi32, #tpu.memory_space<vmem>>, vector<16xi32>,
      %get3A_58 = vector.shape_cast %get3A_57 : vector<16xi32> to vector<16xi32>
      %broadcast_in_dim3A = arith.constant 0 : i32
      %broadcast_in_dim3A_59 = vector.broadcast %broadcast_in_dim3A : i32 to vector<16xi32>
      %eq3A = arith.constant 1 : i32
      %eq3A_60 = vector.broadcast %eq3A : i32 to vector<16xi32>
      %eq3A_61 = arith.cmpi eq, %get3A_55, %eq3A_60 : vector<16xi32>
      %jit3A = arith.constant 1 : i32
      %jit3A_62 = arith.constant 0 : i32
      %broadcast_in_dim3A_63 = vector.broadcast %jit3A : i32 to vector<16xi32>
      %broadcast_in_dim3A_64 = vector.broadcast %jit3A_62 : i32 to vector<16xi32>
      %select_n3A = arith.select %eq3A_61, %broadcast_in_dim3A_63, %broadcast_in_dim3A_64 : vector<16xi1>, vector<16xi32>
      %add3A_65 = arith.addi %broadcast_in_dim3A_59, %select_n3A : vector<16xi32>
      %eq3A_66 = arith.constant 18 : i32
      %eq3A_67 = vector.broadcast %eq3A_66 : i32 to vector<16xi32>
      %eq3A_68 = arith.cmpi eq, %get3A_55, %eq3A_67 : vector<16xi32>
      %jit3A_69 = arith.constant 2 : i32
      %jit3A_70 = arith.constant 0 : i32
      %broadcast_in_dim3A_71 = vector.broadcast %jit3A_69 : i32 to vector<16xi32>
      %broadcast_in_dim3A_72 = vector.broadcast %jit3A_70 : i32 to vector<16xi32>
      %select_n3A_73 = arith.select %eq3A_68, %broadcast_in_dim3A_71, %broadcast_in_dim3A_72 : vector<16xi1>, vector<16xi32>
      %add3A_74 = arith.addi %add3A_65, %select_n3A_73 : vector<16xi32>
      %eq3A_75 = arith.constant 25 : i32
      %eq3A_76 = vector.broadcast %eq3A_75 : i32 to vector<16xi32>
      %eq3A_77 = arith.cmpi eq, %get3A_55, %eq3A_76 : vector<16xi32>
      %jit3A_78 = arith.constant 3 : i32
      %jit3A_79 = arith.constant 0 : i32
      %broadcast_in_dim3A_80 = vector.broadcast %jit3A_78 : i32 to vector<16xi32>
      %broadcast_in_dim3A_81 = vector.broadcast %jit3A_79 : i32 to vector<16xi32>
      %select_n3A_82 = arith.select %eq3A_77, %broadcast_in_dim3A_80, %broadcast_in_dim3A_81 : vector<16xi1>, vector<16xi32>
      %add3A_83 = arith.addi %add3A_74, %select_n3A_82 : vector<16xi32>
      %eq3A_84 = arith.constant 35 : i32
      %eq3A_85 = vector.broadcast %eq3A_84 : i32 to vector<16xi32>
      %eq3A_86 = arith.cmpi eq, %get3A_55, %eq3A_85 : vector<16xi32>
      %jit3A_87 = arith.constant 4 : i32
      %jit3A_88 = arith.constant 0 : i32
      %broadcast_in_dim3A_89 = vector.broadcast %jit3A_87 : i32 to vector<16xi32>
      %broadcast_in_dim3A_90 = vector.broadcast %jit3A_88 : i32 to vector<16xi32>
      %select_n3A_91 = arith.select %eq3A_86, %broadcast_in_dim3A_89, %broadcast_in_dim3A_90 : vector<16xi1>, vector<16xi32>
      %add3A_92 = arith.addi %add3A_83, %select_n3A_91 : vector<16xi32>
      %eq3A_93 = arith.constant 45 : i32
      %eq3A_94 = vector.broadcast %eq3A_93 : i32 to vector<16xi32>
      %eq3A_95 = arith.cmpi eq, %get3A_55, %eq3A_94 : vector<16xi32>
      %jit3A_96 = arith.constant 5 : i32
      %jit3A_97 = arith.constant 0 : i32
      %broadcast_in_dim3A_98 = vector.broadcast %jit3A_96 : i32 to vector<16xi32>
      %broadcast_in_dim3A_99 = vector.broadcast %jit3A_97 : i32 to vector<16xi32>
      %select_n3A_100 = arith.select %eq3A_95, %broadcast_in_dim3A_98, %broadcast_in_dim3A_99 : vector<16xi1>, vector<16xi32>
      %add3A_101 = arith.addi %add3A_92, %select_n3A_100 : vector<16xi32>
      %eq3A_102 = arith.constant 50 : i32
      %eq3A_103 = vector.broadcast %eq3A_102 : i32 to vector<16xi32>
      %eq3A_104 = arith.cmpi eq, %get3A_55, %eq3A_103 : vector<16xi32>
      %jit3A_105 = arith.constant 6 : i32
      %jit3A_106 = arith.constant 0 : i32
      %broadcast_in_dim3A_107 = vector.broadcast %jit3A_105 : i32 to vector<16xi32>
      %broadcast_in_dim3A_108 = vector.broadcast %jit3A_106 : i32 to vector<16xi32>
      %select_n3A_109 = arith.select %eq3A_104, %broadcast_in_dim3A_107, %broadcast_in_dim3A_108 : vector<16xi1>, vector<16xi32>
      %add3A_110 = arith.addi %add3A_101, %select_n3A_109 : vector<16xi32>
      %eq3A_111 = arith.constant 56 : i32
      %eq3A_112 = vector.broadcast %eq3A_111 : i32 to vector<16xi32>
      %eq3A_113 = arith.cmpi eq, %get3A_55, %eq3A_112 : vector<16xi32>
      %jit3A_114 = arith.constant 7 : i32
      %jit3A_115 = arith.constant 0 : i32
      %broadcast_in_dim3A_116 = vector.broadcast %jit3A_114 : i32 to vector<16xi32>
      %broadcast_in_dim3A_117 = vector.broadcast %jit3A_115 : i32 to vector<16xi32>
      %select_n3A_118 = arith.select %eq3A_113, %broadcast_in_dim3A_116, %broadcast_in_dim3A_117 : vector<16xi1>, vector<16xi32>
      %add3A_119 = arith.addi %add3A_110, %select_n3A_118 : vector<16xi32>
      %eq3A_120 = arith.constant 0 : i32
      %eq3A_121 = vector.broadcast %eq3A_120 : i32 to vector<16xi32>
      %eq3A_122 = arith.cmpi eq, %get3A_58, %eq3A_121 : vector<16xi32>
      %jit3A_123 = arith.constant 1 : i32
      %jit3A_124 = arith.constant 0 : i32
      %broadcast_in_dim3A_125 = vector.broadcast %jit3A_123 : i32 to vector<16xi32>
      %broadcast_in_dim3A_126 = vector.broadcast %jit3A_124 : i32 to vector<16xi32>
      %select_n3A_127 = arith.select %eq3A_122, %broadcast_in_dim3A_125, %broadcast_in_dim3A_126 : vector<16xi1>, vector<16xi32>
      %eq3A_128 = arith.constant 1 : i32
      %eq3A_129 = vector.broadcast %eq3A_128 : i32 to vector<16xi32>
      %eq3A_130 = arith.cmpi eq, %get3A_58, %eq3A_129 : vector<16xi32>
      %jit3A_131 = arith.constant 2 : i32
      %jit3A_132 = arith.constant 0 : i32
      %broadcast_in_dim3A_133 = vector.broadcast %jit3A_131 : i32 to vector<16xi32>
      %broadcast_in_dim3A_134 = vector.broadcast %jit3A_132 : i32 to vector<16xi32>
      %select_n3A_135 = arith.select %eq3A_130, %broadcast_in_dim3A_133, %broadcast_in_dim3A_134 : vector<16xi1>, vector<16xi32>
      %add3A_136 = arith.addi %select_n3A_127, %select_n3A_135 : vector<16xi32>
      %mul3A_137 = arith.constant 3 : i32
      %mul3A_138 = vector.broadcast %mul3A_137 : i32 to vector<16xi32>
      %mul3A_139 = arith.muli %add3A_119, %mul3A_138 : vector<16xi32>
      %add3A_140 = arith.addi %mul3A_139, %add3A_136 : vector<16xi32>
      %get3A_141 = arith.index_cast %add3A_53 : i32 to index
      %get3A_142 = tpu.vector_load %arg7[%get3A_141] {strides = array<i32>} : memref<512xi32, #tpu.memory_space<vmem>>, vector<16xi32>,
      %get3A_143 = vector.shape_cast %get3A_142 : vector<16xi32> to vector<16xi32>
      %get3A_144 = arith.index_cast %add3A_53 : i32 to index
      %get3A_145 = tpu.vector_load %arg8[%get3A_144] {strides = array<i32>} : memref<512xi32, #tpu.memory_space<vmem>>, vector<16xi32>,
      %get3A_146 = vector.shape_cast %get3A_145 : vector<16xi32> to vector<16xi32>
      %broadcast_in_dim3A_147 = arith.constant 0 : i32
      %broadcast_in_dim3A_148 = vector.broadcast %broadcast_in_dim3A_147 : i32 to vector<16xi32>
      %eq3A_149 = arith.constant 1 : i32
      %eq3A_150 = vector.broadcast %eq3A_149 : i32 to vector<16xi32>
      %eq3A_151 = arith.cmpi eq, %get3A_143, %eq3A_150 : vector<16xi32>
      %jit3A_152 = arith.constant 1 : i32
      %jit3A_153 = arith.constant 0 : i32
      %broadcast_in_dim3A_154 = vector.broadcast %jit3A_152 : i32 to vector<16xi32>
      %broadcast_in_dim3A_155 = vector.broadcast %jit3A_153 : i32 to vector<16xi32>
      %select_n3A_156 = arith.select %eq3A_151, %broadcast_in_dim3A_154, %broadcast_in_dim3A_155 : vector<16xi1>, vector<16xi32>
      %add3A_157 = arith.addi %broadcast_in_dim3A_148, %select_n3A_156 : vector<16xi32>
      %eq3A_158 = arith.constant 18 : i32
      %eq3A_159 = vector.broadcast %eq3A_158 : i32 to vector<16xi32>
      %eq3A_160 = arith.cmpi eq, %get3A_143, %eq3A_159 : vector<16xi32>
      %jit3A_161 = arith.constant 2 : i32
      %jit3A_162 = arith.constant 0 : i32
      %broadcast_in_dim3A_163 = vector.broadcast %jit3A_161 : i32 to vector<16xi32>
      %broadcast_in_dim3A_164 = vector.broadcast %jit3A_162 : i32 to vector<16xi32>
      %select_n3A_165 = arith.select %eq3A_160, %broadcast_in_dim3A_163, %broadcast_in_dim3A_164 : vector<16xi1>, vector<16xi32>
      %add3A_166 = arith.addi %add3A_157, %select_n3A_165 : vector<16xi32>
      %eq3A_167 = arith.constant 25 : i32
      %eq3A_168 = vector.broadcast %eq3A_167 : i32 to vector<16xi32>
      %eq3A_169 = arith.cmpi eq, %get3A_143, %eq3A_168 : vector<16xi32>
      %jit3A_170 = arith.constant 3 : i32
      %jit3A_171 = arith.constant 0 : i32
      %broadcast_in_dim3A_172 = vector.broadcast %jit3A_170 : i32 to vector<16xi32>
      %broadcast_in_dim3A_173 = vector.broadcast %jit3A_171 : i32 to vector<16xi32>
      %select_n3A_174 = arith.select %eq3A_169, %broadcast_in_dim3A_172, %broadcast_in_dim3A_173 : vector<16xi1>, vector<16xi32>
      %add3A_175 = arith.addi %add3A_166, %select_n3A_174 : vector<16xi32>
      %eq3A_176 = arith.constant 35 : i32
      %eq3A_177 = vector.broadcast %eq3A_176 : i32 to vector<16xi32>
      %eq3A_178 = arith.cmpi eq, %get3A_143, %eq3A_177 : vector<16xi32>
      %jit3A_179 = arith.constant 4 : i32
      %jit3A_180 = arith.constant 0 : i32
      %broadcast_in_dim3A_181 = vector.broadcast %jit3A_179 : i32 to vector<16xi32>
      %broadcast_in_dim3A_182 = vector.broadcast %jit3A_180 : i32 to vector<16xi32>
      %select_n3A_183 = arith.select %eq3A_178, %broadcast_in_dim3A_181, %broadcast_in_dim3A_182 : vector<16xi1>, vector<16xi32>
      %add3A_184 = arith.addi %add3A_175, %select_n3A_183 : vector<16xi32>
      %eq3A_185 = arith.constant 45 : i32
      %eq3A_186 = vector.broadcast %eq3A_185 : i32 to vector<16xi32>
      %eq3A_187 = arith.cmpi eq, %get3A_143, %eq3A_186 : vector<16xi32>
      %jit3A_188 = arith.constant 5 : i32
      %jit3A_189 = arith.constant 0 : i32
      %broadcast_in_dim3A_190 = vector.broadcast %jit3A_188 : i32 to vector<16xi32>
      %broadcast_in_dim3A_191 = vector.broadcast %jit3A_189 : i32 to vector<16xi32>
      %select_n3A_192 = arith.select %eq3A_187, %broadcast_in_dim3A_190, %broadcast_in_dim3A_191 : vector<16xi1>, vector<16xi32>
      %add3A_193 = arith.addi %add3A_184, %select_n3A_192 : vector<16xi32>
      %eq3A_194 = arith.constant 50 : i32
      %eq3A_195 = vector.broadcast %eq3A_194 : i32 to vector<16xi32>
      %eq3A_196 = arith.cmpi eq, %get3A_143, %eq3A_195 : vector<16xi32>
      %jit3A_197 = arith.constant 6 : i32
      %jit3A_198 = arith.constant 0 : i32
      %broadcast_in_dim3A_199 = vector.broadcast %jit3A_197 : i32 to vector<16xi32>
      %broadcast_in_dim3A_200 = vector.broadcast %jit3A_198 : i32 to vector<16xi32>
      %select_n3A_201 = arith.select %eq3A_196, %broadcast_in_dim3A_199, %broadcast_in_dim3A_200 : vector<16xi1>, vector<16xi32>
      %add3A_202 = arith.addi %add3A_193, %select_n3A_201 : vector<16xi32>
      %eq3A_203 = arith.constant 56 : i32
      %eq3A_204 = vector.broadcast %eq3A_203 : i32 to vector<16xi32>
      %eq3A_205 = arith.cmpi eq, %get3A_143, %eq3A_204 : vector<16xi32>
      %jit3A_206 = arith.constant 7 : i32
      %jit3A_207 = arith.constant 0 : i32
      %broadcast_in_dim3A_208 = vector.broadcast %jit3A_206 : i32 to vector<16xi32>
      %broadcast_in_dim3A_209 = vector.broadcast %jit3A_207 : i32 to vector<16xi32>
      %select_n3A_210 = arith.select %eq3A_205, %broadcast_in_dim3A_208, %broadcast_in_dim3A_209 : vector<16xi1>, vector<16xi32>
      %add3A_211 = arith.addi %add3A_202, %select_n3A_210 : vector<16xi32>
      %eq3A_212 = arith.constant 0 : i32
      %eq3A_213 = vector.broadcast %eq3A_212 : i32 to vector<16xi32>
      %eq3A_214 = arith.cmpi eq, %get3A_146, %eq3A_213 : vector<16xi32>
      %jit3A_215 = arith.constant 1 : i32
      %jit3A_216 = arith.constant 0 : i32
      %broadcast_in_dim3A_217 = vector.broadcast %jit3A_215 : i32 to vector<16xi32>
      %broadcast_in_dim3A_218 = vector.broadcast %jit3A_216 : i32 to vector<16xi32>
      %select_n3A_219 = arith.select %eq3A_214, %broadcast_in_dim3A_217, %broadcast_in_dim3A_218 : vector<16xi1>, vector<16xi32>
      %eq3A_220 = arith.constant 1 : i32
      %eq3A_221 = vector.broadcast %eq3A_220 : i32 to vector<16xi32>
      %eq3A_222 = arith.cmpi eq, %get3A_146, %eq3A_221 : vector<16xi32>
      %jit3A_223 = arith.constant 2 : i32
      %jit3A_224 = arith.constant 0 : i32
      %broadcast_in_dim3A_225 = vector.broadcast %jit3A_223 : i32 to vector<16xi32>
      %broadcast_in_dim3A_226 = vector.broadcast %jit3A_224 : i32 to vector<16xi32>
      %select_n3A_227 = arith.select %eq3A_222, %broadcast_in_dim3A_225, %broadcast_in_dim3A_226 : vector<16xi1>, vector<16xi32>
      %add3A_228 = arith.addi %select_n3A_219, %select_n3A_227 : vector<16xi32>
      %mul3A_229 = arith.constant 3 : i32
      %mul3A_230 = vector.broadcast %mul3A_229 : i32 to vector<16xi32>
      %mul3A_231 = arith.muli %add3A_211, %mul3A_230 : vector<16xi32>
      %add3A_232 = arith.addi %mul3A_231, %add3A_228 : vector<16xi32>
      %broadcast_in_dim3A_233 = vector.shape_cast %rem3A_23 : vector<16xi32> to vector<16x1xi32>
      %gather3A = vector.shape_cast %broadcast_in_dim3A_233 : vector<16x1xi32> to vector<16xi32>
      %gather3A_234 = tpu.dynamic_gather %add3A_140[%gather3A] in [0] : vector<16xi32>, vector<16xi32> -> vector<16xi32>
      %broadcast_in_dim3A_235 = vector.shape_cast %rem3A_23 : vector<16xi32> to vector<16x1xi32>
      %gather3A_236 = vector.shape_cast %broadcast_in_dim3A_235 : vector<16x1xi32> to vector<16xi32>
      %gather3A_237 = tpu.dynamic_gather %add3A_232[%gather3A_236] in [0] : vector<16xi32>, vector<16xi32> -> vector<16xi32>
      %select_n3A_238 = arith.select %lt3A_25, %gather3A_234, %gather3A_237 : vector<16xi1>, vector<16xi32>
      %add3A_239 = arith.constant 1 : i32
      %add3A_240 = vector.broadcast %add3A_239 : i32 to vector<16xi32>
      %add3A_241 = arith.addi %rem3A_23, %add3A_240 : vector<16xi32>
      %broadcast_in_dim3A_242 = vector.shape_cast %add3A_241 : vector<16xi32> to vector<16x1xi32>
      %gather3A_243 = vector.shape_cast %broadcast_in_dim3A_242 : vector<16x1xi32> to vector<16xi32>
      %gather3A_244 = tpu.dynamic_gather %add3A_140[%gather3A_243] in [0] : vector<16xi32>, vector<16xi32> -> vector<16xi32>
      %add3A_245 = arith.constant 1 : i32
      %add3A_246 = vector.broadcast %add3A_245 : i32 to vector<16xi32>
      %add3A_247 = arith.addi %rem3A_23, %add3A_246 : vector<16xi32>
      %broadcast_in_dim3A_248 = vector.shape_cast %add3A_247 : vector<16xi32> to vector<16x1xi32>
      %gather3A_249 = vector.shape_cast %broadcast_in_dim3A_248 : vector<16x1xi32> to vector<16xi32>
      %gather3A_250 = tpu.dynamic_gather %add3A_232[%gather3A_249] in [0] : vector<16xi32>, vector<16xi32> -> vector<16xi32>
      %select_n3A_251 = arith.select %lt3A_25, %gather3A_244, %gather3A_250 : vector<16xi1>, vector<16xi32>
      %mul3A_252 = arith.constant 24 : i32
      %mul3A_253 = vector.broadcast %mul3A_252 : i32 to vector<16xi32>
      %mul3A_254 = arith.muli %select_n3A_238, %mul3A_253 : vector<16xi32>
      %add3A_255 = arith.addi %mul3A_254, %select_n3A_251 : vector<16xi32>
      %mul3A_256 = arith.constant 16 : i32
      %mul3A_257 = arith.muli %scan3A_43, %mul3A_256 : i32
      %swap3A = arith.index_cast %mul3A_257 : i32 to index
      %swap3A_258 = tpu.vector_load %arg12[%swap3A] {strides = array<i32>} : memref<256xi32, #tpu.memory_space<vmem>>, vector<16xi32>,
      %swap3A_259 = vector.shape_cast %swap3A_258 : vector<16xi32> to vector<16xi32>
      %swap3A_260 = vector.shape_cast %add3A_255 : vector<16xi32> to vector<16xi32>
      tpu.vector_store %arg12[%swap3A], %swap3A_260 {strides = array<i32>} : memref<256xi32, #tpu.memory_space<vmem>>, vector<16xi32>,
    }
    %scan3A_30 = arith.constant 16 : i32
    %dma_wait3A_31 = arith.constant 0 : i32
    %dma_wait3A_32 = tpu.memref_slice %arg14[%mul3A_11, %dma_wait3A_31] : memref<576x128xf32, #tpu.memory_space<vmem_shared>> -> memref<36x128xf32, #tpu.memory_space<vmem_shared>>
    %dma_wait3A_33 = arith.constant 0 : i32
    %dma_wait3A_34 = tpu.memref_slice %arg14[%mul3A_11, %dma_wait3A_33] : memref<576x128xf32, #tpu.memory_space<vmem_shared>> -> memref<36x128xf32, #tpu.memory_space<vmem_shared>>
    tpu.wait_dma2 semaphore(%arg16 : memref<!tpu.dma_semaphore, #tpu.memory_space<semaphore_mem>>) src(%arg11 : memref<36x128xf32, #tpu.memory_space<vmem>>) dst(%dma_wait3A_34 : memref<36x128xf32, #tpu.memory_space<vmem_shared>>)
    %barrier3A = arith.constant 0 : index
    tpu.barrier barrier_id(%barrier3A)
    %dma_start3A_35 = arith.constant 0 : i32
    %dma_start3A_36 = arith.constant 0 : i32
    %dma_start3A_37 = tpu.memref_slice %arg14[%dma_start3A_35, %dma_start3A_36] : memref<576x128xf32, #tpu.memory_space<vmem_shared>> -> memref<576x128xf32, #tpu.memory_space<vmem_shared>>
    tpu.enqueue_indirect_dma source(%dma_start3A_37 : memref<576x128xf32, #tpu.memory_space<vmem_shared>>) target(%arg13 : memref<256x128xf32, #tpu.memory_space<vmem>>) offsets(%arg12 : memref<256xi32, #tpu.memory_space<vmem>>) semaphore(%arg17 : memref<!tpu.dma_semaphore, #tpu.memory_space<semaphore_mem>>)
    %dma_wait3A_38 = arith.constant 0 : i32
    %dma_wait3A_39 = arith.constant 0 : i32
    %dma_wait3A_40 = tpu.memref_slice %arg14[%dma_wait3A_38, %dma_wait3A_39] : memref<576x128xf32, #tpu.memory_space<vmem_shared>> -> memref<576x128xf32, #tpu.memory_space<vmem_shared>>
    tpu.wait_indirect_dma semaphore(%arg17 : memref<!tpu.dma_semaphore, #tpu.memory_space<semaphore_mem>>) src(%dma_wait3A_40 : memref<576x128xf32, #tpu.memory_space<vmem_shared>>) dst(%arg13 : memref<256x128xf32, #tpu.memory_space<vmem>>)
    %mul3A_41 = arith.constant 256 : i32
    %mul3A_42 = arith.muli %add3A, %mul3A_41 : i32
    "tpu.region"() ({
      %run_scoped3A = tpu.sem_alloc : memref<!tpu.dma_semaphore, #tpu.memory_space<semaphore_mem>>
      %dma_start3A_43 = arith.constant 0 : i32
      %dma_start3A_44 = tpu.memref_slice %arg6[%mul3A_42, %dma_start3A_43] : memref<8192x128xf32, #tpu.memory_space<hbm>> -> memref<256x128xf32, #tpu.memory_space<hbm>>
      %dma_start3A_45 = arith.constant 0 : i32
      %dma_start3A_46 = tpu.memref_slice %arg6[%mul3A_42, %dma_start3A_45] : memref<8192x128xf32, #tpu.memory_space<hbm>> -> memref<256x128xf32, #tpu.memory_space<hbm>>
      tpu.enqueue_dma source(%arg13 : memref<256x128xf32, #tpu.memory_space<vmem>>) target(%dma_start3A_46 : memref<256x128xf32, #tpu.memory_space<hbm>>) target_semaphore(%run_scoped3A : memref<!tpu.dma_semaphore, #tpu.memory_space<semaphore_mem>>)
      %dma_wait3A_47 = arith.constant 0 : i32
      %dma_wait3A_48 = tpu.memref_slice %arg6[%mul3A_42, %dma_wait3A_47] : memref<8192x128xf32, #tpu.memory_space<hbm>> -> memref<256x128xf32, #tpu.memory_space<hbm>>
      %dma_wait3A_49 = arith.constant 0 : i32
      %dma_wait3A_50 = tpu.memref_slice %arg6[%mul3A_42, %dma_wait3A_49] : memref<8192x128xf32, #tpu.memory_space<hbm>> -> memref<256x128xf32, #tpu.memory_space<hbm>>
      tpu.wait_dma2 semaphore(%run_scoped3A : memref<!tpu.dma_semaphore, #tpu.memory_space<semaphore_mem>>) src(%arg13 : memref<256x128xf32, #tpu.memory_space<vmem>>) dst(%dma_wait3A_50 : memref<256x128xf32, #tpu.memory_space<hbm>>)
      tpu.yield
    }) : () -> ()
    return
  }
}

</mosaic_0001>

<sc_bundles>
// kernel: kernel.3.cloned.1.call-start
scs
__scs_entry_jumppad:
0x0: {  	(pc) =	sbr.rel $0x88, $3  }
0x1: {  	(tag) =	ssettag $0x0;
	lr =	simm.s32 $0x1  }
0x2: {  	[smem:$0x3F9D] =	sst lr;
	_ =	strace $0xD0000000  }
0x3: {  	_ = 	snop  }
0x4: {  	_ = 	snop  }
0x5: {  	_ = 	snop  }
0x6: {  	_ = 	snop  }
0x7: {  	_ = 	snop  }
__scs_overlays_trampoline_lowered:
0x8: {  	[smem:$0x3FAC] =	sst s0  }
0x9: {  	[smem:$0x3FAD] =	sst s1  }
0xa: {  	[smem:$0x3FAE] =	sst s2  }
0xb: {  	[smem:$0x3FAF] =	sst s3  }
0xc: {  	[smem:$0x3FB0] =	sst s4  }
0xd: {  	[smem:$0x3FB1] =	sst s5  }
0xe: {  	[smem:$0x3FB2] =	sst s6  }
0xf: {  	[smem:$0x3FB3] =	sst s7  }
0x10: {  	[smem:$0x3FB4] =	sst s8  }
0x11: {  	[smem:$0x3FB5] =	sst s9;
	s0 =	simm.s32 @!p0 $0x0  }
0x12: {  	s1 =	sld [smem:$0x3F9B];
	s0 =	simm.s32 @p0 $0x1  }
0x13: {  	[smem:$0x3FB6] =	sst s0;
	s0 =	simm.s32 @!p1 $0x0  }
0x14: {  	s2 =	sld [smem:$0x3F9A];
	s0 =	simm.s32 @p1 $0x1  }
0x15: {  	[smem:$0x3FB7] =	sst s0;
	s0 =	simm.s32 @!p2 $0x0  }
0x16: {  	s3 =	sld [smem:$0x3FDB];
	s0 =	simm.s32 @p2 $0x1  }
0x17: {  	s4 =	simm.s32 $0x1BF5;
	[smem:$0x3FB9] =	sst s0  }
0x18: {  	s0 =	sld [smem:$0x3F9C];
	_ =	swait.ge [sflag:s4], $0x0  }
0x19: {  	s7 =	sld [smem:$0x3F9D]  }
0x1a: {  	s8 =	sadd.s32 $0xFFFFE003, lr  }
0x1b: {  	s9 =	sadd.s32 $0xFFFFFEF7, lr;
	s5 =	simm.s32 $0xFFFFFFFF;
	p2 =	slt.u32 s8, $0xFFFFF086  }
0x1c: {  	p1 =	slt.u32 s9, $0xF7A;
	s5 =	simm.s32 @!p2 $0x0  }
0x1d: {  	s5 =	simm.s32 @p1 $0x1;
	p0 =	seq.s32 s7, s2  }
0x1e: {  	s7 =	smul.u32 @!p0 $0xF7A, s2;
	p2 =	seq.s32 @!p0 s5, $0x0  }
0x1f: {  	s9 =	smul.u32 $0xF7A, s1;
	s8 =	simm.s32 @!p0 $0x1BF5;
	p2 =	por !p2, p0  }
0x20: {  	[sflag:s8] =	ssyncset.s32 @!p0 $0xFFFFF086;
	s6 =	sadd.s32 @!p0 s3, s7;
	s7 =	simm.s32 @!p0 $0x108  }
0x21: {  	s3 =	sadd.s32 s3, s9;
	s6 =	sadd.s32 @!p0 $0x88, s6;
	s7 =	simm.s32 @p2 $0x1082  }
0x22: {  	[simem:s7], [sflag:s8] =	dma.local @!p0 [hbm:s6], $0xF7A  }
0x23: {  	s9 =	sor.u32 $0xD0000000, s2;
	s6 =	simm.s32 $0x108;
	_ =	swait.ge @!p0 [sflag:s8], $0x0  }
0x24: {  	s3 =	sadd.s32 $0x88, s3;
	s6 =	simm.s32 @!p1 $0x1082;
	[sflag:s4] =	ssyncset.s32 $0xFFFFF086  }
0x25: {  	[simem:s6], [sflag:s4] =	dma.local [hbm:s3], $0xF7A  }
0x26: {  	[smem:$0x3F9D] =	sst s1;
	(tag) =	ssettag s2;
	_ =	strace s9  }
0x27: {  	s1 =	sld [smem:$0x3FAD]  }
0x28: {  	s2 =	sld [smem:$0x3FAE]  }
0x29: {  	s4 =	sld [smem:$0x3FB0]  }
0x2a: {  	p0 =	seq.s32 s5, $0x0;
	s5 =	sld [smem:$0x3FB1]  }
0x2b: {  	s6 =	sld [smem:$0x3FB2]  }
0x2c: {  	s7 =	sld [smem:$0x3FB3]  }
0x2d: {  	s3 =	simm.s32 $0x108;
	s8 =	sld [smem:$0x3FB4]  }
0x2e: {  	s3 =	simm.s32 @!p0 $0x1082;
	s9 =	sld [smem:$0x3FB5]  }
0x2f: {  	lr =	sadd.s32 s0, s3;
	s0 =	sld [smem:$0x3FAC]  }
0x30: {  	s3 =	sld [smem:$0x3FAF]  }
0x31: {  	[smem:$0x3FB8] =	sst s10  }
0x32: {  	s10 =	sld [smem:$0x3FB6];
	_ =	sdelay $0x3  }
0x33: {  	p0 =	seq.s32 s10, $0x1;
	s10 =	sld [smem:$0x3FB8];
	_ =	sdelay $0x3  }
0x34: {  	[smem:$0x3FB8] =	sst s10  }
0x35: {  	s10 =	sld [smem:$0x3FB7];
	_ =	sdelay $0x3  }
0x36: {  	p1 =	seq.s32 s10, $0x1;
	s10 =	sld [smem:$0x3FB8];
	_ =	sdelay $0x3  }
0x37: {  	[smem:$0x3FB8] =	sst s10  }
0x38: {  	s10 =	sld [smem:$0x3FB9]  }
0x39: {  	_ = 	snop;
	(pc) =	sbr.ind lr, $3  }
0x3a: {  	_ = 	snop  }
0x3b: {  	_ = 	snop  }
0x3c: {  	p2 =	seq.s32 s10, $0x1;
	s10 =	sld [smem:$0x3FB8]  }
0x3d: {  	_ =	shalt  }
0x3e: {  	_ =	shalt  }
0x3f: {  	_ =	shalt  }
0x40: {  	_ =	shalt  }
0x41: {  	_ =	shalt  }
0x42: {  	_ =	shalt  }
0x43: {  	_ =	shalt  }
0x44: {  	_ =	shalt  }
0x45: {  	_ =	shalt  }
0x46: {  	_ =	shalt  }
0x47: {  	_ =	shalt  }
0x48: {  	_ =	shalt  }
0x49: {  	_ =	shalt  }
0x4a: {  	_ =	shalt  }
0x4b: {  	_ =	shalt  }
0x4c: {  	_ =	shalt  }
0x4d: {  	_ =	shalt  }
0x4e: {  	_ =	shalt  }
0x4f: {  	_ =	shalt  }
0x50: {  	_ =	shalt  }
0x51: {  	_ =	shalt  }
0x52: {  	_ =	shalt  }
0x53: {  	_ =	shalt  }
0x54: {  	_ =	shalt  }
0x55: {  	_ =	shalt  }
0x56: {  	_ =	shalt  }
0x57: {  	_ =	shalt  }
0x58: {  	_ =	shalt  }
0x59: {  	_ =	shalt  }
0x5a: {  	_ =	shalt  }
0x5b: {  	_ =	shalt  }
0x5c: {  	_ =	shalt  }
0x5d: {  	_ =	shalt  }
0x5e: {  	_ =	shalt  }
0x5f: {  	_ =	shalt  }
0x60: {  	_ =	shalt  }
0x61: {  	_ =	shalt  }
0x62: {  	_ =	shalt  }
0x63: {  	_ =	shalt  }
0x64: {  	_ =	shalt  }
0x65: {  	_ =	shalt  }
0x66: {  	_ =	shalt  }
0x67: {  	_ =	shalt  }
0x68: {  	_ =	shalt  }
0x69: {  	_ =	shalt  }
0x6a: {  	_ =	shalt  }
0x6b: {  	_ =	shalt  }
0x6c: {  	_ =	shalt  }
0x6d: {  	_ =	shalt  }
0x6e: {  	_ =	shalt  }
0x6f: {  	_ =	shalt  }
0x70: {  	_ =	shalt  }
0x71: {  	_ =	shalt  }
0x72: {  	_ =	shalt  }
0x73: {  	_ =	shalt  }
0x74: {  	_ =	shalt  }
0x75: {  	_ =	shalt  }
0x76: {  	_ =	shalt  }
0x77: {  	_ =	shalt  }
0x78: {  	_ =	shalt  }
0x79: {  	_ =	shalt  }
0x7a: {  	_ =	shalt  }
0x7b: {  	_ =	shalt  }
0x7c: {  	_ =	shalt  }
0x7d: {  	_ =	shalt  }
0x7e: {  	_ =	shalt  }
0x7f: {  	_ =	shalt  }
0x80: {  	_ =	shalt  }
0x81: {  	_ =	shalt  }
0x82: {  	_ =	shalt  }
0x83: {  	_ =	shalt  }
0x84: {  	_ =	shalt  }
0x85: {  	_ =	shalt  }
0x86: {  	_ =	shalt  }
0x87: {  	_ =	shalt  }
.Lfunc_end0:
.L_simem_size_0:
called_computation_lowered:
.L_overlay_start_0:
0x88: {  	s2 =	sld [smem:$0x3FD9]  }
0x89: {  	s3 =	sld [smem:$0x3FFE];
	_ =	sdelay $0x1  }
0x8a: {  	s1 =	srdreg.scid  }
0x8b: {  	s0 =	sand.u32 $0x1, s1  }
0x8c: {  	s17 =	sshll.u32 s0, $0xA;
	s2 =	sadd.s32 s3, s2  }
0x8d: {  	s2 =	sadd.s32 s2, s17  }
0x8e: {  	[smem:$0x3FC4] =	sst s2  }
0x8f: {  	_ = 	snop  }
0x90: {  	s2 =	sld [smem:$0x3FC9]  }
0x91: {  	s18 =	sld [smem:$0x3FC8]  }
0x92: {  	s4 =	sld [smem:$0x3FD0];
	(tm) =	ssettm $0x1  }
0x93: {  	s5 =	sld [smem:$0x3FFB];
	_ =	sdelay $0x3  }
0x94: {  	_ =	strace s5  }
0x95: {  	s5 =	sld [smem:$0x3FFC];
	_ =	sdelay $0x3  }
0x96: {  	_ =	strace s5  }
0x97: {  	s5 =	sld [smem:$0x3FFD];
	_ =	sdelay $0x3  }
0x98: {  	_ =	strace s5  }
0x99: {  	_ =	strace $0x8FFFFFFF  }
0x9a: {  	s19 =	sld [smem:$0x3FDB];
	_ =	sdelay $0x1  }
0x9b: {  	s6 =	simm.s32 $_scs_section_size  }
0x9c: {  	s7 =	simm.s32 $_size__tile_overlayer_lowered;
	s8 =	simm.s32 $_tile_overlayer_lowered  }
0x9d: {  	s22 =	simm.s32 $0x1BFF;
	s21 =	sshll.u32 s8, $0x1;
	s5 =	sadd.s32 s6, s19  }
0x9e: {  	s9 =	simm.s32 $0x0;
	s20 =	sshll.u32 s7, $0x1;
	s7 =	sadd.s32 s21, s5  }
0x9f: {  	[timem:s9], [sflag:s22] =	dma.local [hbm:s7], s20  }
0xa0: {  	_ =	swait.ge [sflag:s22], s20  }
0xa1: {  	s6 =	ssub.s32 $0x0, s20;
	[sflag:s22] =	ssyncset.done $0x0  }
0xa2: {  	[sflag:s22] =	ssyncadd.s32 s6;
	_ =	sdelay $0x1  }
0xa3: {  	s23 =	simm.s32 $0x1B8B  }
0xa4: {  	_ =	swait.ge [sflag:s23], $0x1  }
0xa5: {  	[sflag:s23] =	ssyncset.done $0x0  }
0xa6: {  	s25 =	simm.s32 $0x1B8E;
	s24 =	sld [smem:$0x3FFE];
	[sflag:s23] =	ssyncadd.s32 $0xFFFFFFFF  }
0xa7: {  	s26 =	simm.s32 $execute0_lowered;
	[smem:$0x3FD2] =	sst s25  }
0xa8: {  	s7 =	sshll.u32 s26, $0x1;
	_ =	strace $0x80000046;
	[dreg:$0x1] =	wrdreg $0xFFFFFFFF  }
0xa9: {  	s28 =	simm.s32 $_size_execute0_lowered;
	s5 =	sadd.s32 s5, s7;
	[dreg:$0x0] =	wrdreg $0x0  }
0xaa: {  	s7 =	sshll.u32 s28, $0x1;
	[dreg:$0x2] =	wrdreg s5  }
0xab: {  	[dreg:$0x3] =	wrdreg s7  }
0xac: {  	[dreg:$0x4] =	wrdreg $0xC0  }
0xad: {  	_ =	task [dreg:s9], $0x5FFFF  }
0xae: {  	[dreg:$0x1] =	wrdreg $0xFFFFFFFF  }
0xaf: {  	[dreg:$0x0] =	wrdreg $0x60  }
0xb0: {  	[dreg:$0x2] =	wrdreg s24  }
0xb1: {  	[dreg:$0x3] =	wrdreg s2  }
0xb2: {  	[dreg:$0x4] =	wrdreg s18  }
0xb3: {  	[dreg:$0x5] =	wrdreg s4  }
0xb4: {  	[dreg:$0x6] =	wrdreg $0x9A800  }
0xb5: {  	[dreg:$0x7] =	wrdreg $0x9  }
0xb6: {  	_ =	task.clear_ibuf [dreg:s9], $0x8FFFF;
	_ =	strace $0x90000046  }
0xb7: {  	s29 =	simm.s32 $0x9;
	_ =	strace $0x80000048  }
0xb8: {  	_ =	swait.ge [sflag:s29], $0x1  }
0xb9: {  	[sflag:s29] =	ssyncadd.s32 $0xFFFFFFFF  }
0xba: {  	_ =	strace $0x90000048  }
0xbb: {  	_ =	sfence  }
0xbc: {  	s30 =	sld [smem:$0x0];
	_ =	sdelay $0x2  }
0xbd: {  	s31 =	sshll.u32 s1, $0xD;
	s1 =	sshrl.u32 s1, $0x2  }
0xbe: {  	s3 =	sand.u32 $0x4000, s31;
	s1 =	sadd.s32 s1, s30  }
0xbf: {  	s0 =	sor.u32 s3, s0;
	s1 =	sshll.u32 s1, $0x11  }
0xc0: {  	s0 =	sor.u32 s1, s0  }
0xc1: {  	s0 =	sadd.s32 $0x8F2B, s0  }
0xc2: {  	[sflag:s0] =	ssyncadd.remote.s32 $0x1  }
0xc3: {  	_ =	sfence.sel $0xFFFF  }
0xc4: {  	[dreg:$0x0] =	wrdreg $0xFFFFFFFF;
	(pc) =	sbr.abs _section_cstart, $3  }
0xc5: {  	[dreg:$0x1] =	wrdreg $0xFFFFFFFF  }
0xc6: {  	_ =	task.clear_ibuf [dreg:s9], $0x2FFFF;
	_ =	strace $0x9FFFFFFF  }
0xc7: {  	(tm) =	ssettm $0x7FFFFFFF  }
tec
execute0_lowered:
.L_overlay_start_1:
0x0: {  	(tag) =	ssettag $0x1  }
0x1: {  	s5 =	rddreg [dreg:$0x0]  }
0x2: {  	s6 =	rddreg [dreg:$0x1]  }
0x3: {  	s7 =	rddreg [dreg:$0x2]  }
0x4: {  	s10 =	rddreg [dreg:$0x3]  }
0x5: {  	s1 =	rddreg [dreg:$0x4]  }
0x6: {  	s0 =	rddreg [dreg:$0x5];
	s3 =	simm.s32 $0x0;
	s8 =	srdreg.scid  }
0x7: {  	s2 =	stileid.u32;
	s14 =	simm.s32 $0x500;
	s15 =	simm.s32 $0x3  }
0x8: {  	s16 =	simm.s32 $0x1;
	s17 =	simm.s32 $0x580;
	s18 =	simm.s32 $0x2  }
0x9: {  	s19 =	simm.s32 $0x100;
	s20 =	simm.s32 $0x1980;
	s21 =	simm.s32 $0x1A80  }
0xa: {  	s22 =	simm.s32 $0x4;
	s23 =	simm.s32 $0x0;
	[smem:$0x7FF] =	sst s3  }
0xb: {  	s4 =	sadd.s32 $0x600, s5;
	s8 =	sand.u32 $0x1, s8;
	s9 =	sshll.u32 s2, $0x1  }
0xc: {  	s5 =	sadd.s32 $0x400, s5;
	s13 =	smul.u32 $0x4800, s2;
	_ =	strace $0x80000047  }
0xd: {  	v0 =	vlaneseq.u32;
	s11 =	ssub.s32 $0x2, s8;
	s9 =	sor.u32 s8, s9;
	s8 =	smul.u32 $0x24, s2  }
0xe: {  	v0 =	vand.u32 $0x7, v0;
	s29 =	sshrl.u32 s11, $0x1;
	s12 =	sshll.u32 s9, $0x6;
	s30 =	sshrl.u32 s13, $0x2  }
0xf: {  	v0 =	vmul.u32 $0x2, v0;
	s31 =	sshll.u32 s9, $0xC;
	s13 =	simm.s32 $0x400;
	s11 =	ssub.s32 s11, s29  }
0x10: {  	s6 =	sadd.s32 s6, s12;
	s7 =	sadd.s32 s7, s12;
	s9 =	sadd.s32 s30, s1  }
0x11: {  	v1 =	vimm.s32 $0x0;
	vm0 =	vmmov $0xff;
	s10 =	sadd.s32 s10, s31;
	s12 =	simm.s32 $0x200;
	v2 =	vor.u32 $0x1, v0;
	s11 =	smax.u32 s11, $0x1  }
.LBB2_1:
0x12: {  	[tilespmem:s3], [sflag:$0x1] =	stream.linear.gather [hbm4b:s6+s3], $0x200, $0x38;
	[tilespmem:$0xAC80] =	vst v63  }
0x13: {  	s25 =	sadd.s32 $0x0, s8  }
0x14: {  	s24 =	smulhi.u32 $0xAAAAAAAB, s25  }
0x15: {  	[tilespmem:s12], [sflag:$0x1] =	stream.linear.gather [hbm4b:s7+s3], $0x200, $0x38;
	[tilespmem:$0xAC80] =	vst v63  }
0x16: {  	s24 =	sshrl.u32 s24, $0x4  }
0x17: {  	s26 =	smulhi.u32 $0x55555556, s24  }
0x18: {  	[tilespmem:s13], [sflag:$0x3] =	stream.linear.gather [hbm4b:s4+s3], $0x100, $0x38;
	[tilespmem:$0xAC80] =	vst v63  }
0x19: {  	s26 =	smul.u32 $0x3, s26  }
0x1a: {  	[tilespmem:s14], [sflag:$0x3] =	stream.linear.gather [hbm4b:s5+s3], $0x80, $0x38;
	[tilespmem:$0xAC80] =	vst v63  }
0x1b: {  	s26 =	ssub.s32 s24, s26  }
0x1c: {  	p0 =	slt.u32 s25, $0x18;
	p1 =	sne.s32 s26, $0x0  }
0x1d: {  	s31 =	smulhi.u32 $0x38E38E39, s25;
	_ =	swait.ge [sflag:s15], $0x100;
	p0 =	por !p0, !p1  }
0x1e: {  	s28 =	simm.s32 $0x1;
	[sflag:s15] =	ssyncset.done $0x0;
	p0 =	por !p0, !p0  }
0x1f: {  	s24 =	sshrl.u32 s31, $0x4;
	[sflag:s15] =	ssyncadd.s32 $0xFFFFFF00;
	s28 =	simm.s32 @!p0 $0x0  }
0x20: {  	_ =	swait.ge [sflag:s15], $0x80;
	s24 =	ssub.s32 s24, s28  }
0x21: {  	[sflag:s15] =	ssyncset.done $0x0;
	s24 =	sshll.u32 s24, $0x7  }
0x22: {  	[sflag:s15] =	ssyncadd.s32 $0xFFFFFF80;
	s28 =	sshra.s32 s24, $0x2  }
0x23: {  	v3 =	vld [tilespmem:s28+$0x400];
	_ =	sdelay $0x3  }
0x24: {  	s24 =	simm.s32 $0x5C0  }
0x25: {  	[tilespmem:s24+$0xFFFFFFC0] =	vst v3  }
0x26: {  	v3 =	vld [tilespmem:s28+$0x410];
	_ =	sdelay $0x3  }
0x27: {  	s26 =	sshll.u32 s26, $0x5  }
0x28: {  	s28 =	sor.u32 $0x500, s26;
	[tilespmem:s24+$0xFFFFFFD0] =	vst v3  }
0x29: {  	v3 =	vld [tilespmem:s28+$0x0];
	_ =	sdelay $0x1  }
0x2a: {  	s28 =	smulhi.u32 $0xAAAAAAAB, s8;
	_ =	sdelay $0x1  }
0x2b: {  	s28 =	sshrl.u32 s28, $0x4  }
0x2c: {  	s26 =	sor.u32 $0x510, s26;
	s28 =	smul.u32 $0xFFFFFFE8, s28;
	[tilespmem:s24+$0xFFFFFFE0] =	vst v3  }
0x2d: {  	v3 =	vld [tilespmem:s26+$0x0]  }
0x2e: {  	s29 =	sadd.s32 s28, s25  }
0x2f: {  	s25 =	smul.u32 $0xAB, s29;
	_ =	sdelay $0x1  }
0x30: {  	s31 =	sshrl.u32 s25, $0x4  }
0x31: {  	s26 =	sand.u32 $0xFE0, s31;
	[tilespmem:s24+$0xFFFFFFF0] =	vst v3  }
0x32: {  	v3 =	vld [tilespmem:s26+$0x400];
	_ =	sdelay $0x4  }
0x33: {  	[tilespmem:s24+$0x0] =	vst v3  }
0x34: {  	s25 =	sshrl.u32 s25, $0x9;
	v3 =	vld [tilespmem:s26+$0x410]  }
0x35: {  	s30 =	smul.u32 $0x3, s25  }
0x36: {  	s28 =	simm.s32 $0x2;
	s25 =	smov.u32 s8;
	s26 =	sadd.s32 $0x1, s8  }
.LBB2_2:
0x37: {  	p0 =	sne.s32 s28, $0x23;
	s31 =	smulhi.u32 $0xAAAAAAAB, s26;
	s29 =	ssub.s32 s29, s30  }
0x38: {  	s29 =	sshll.u32 s29, $0x5  }
0x39: {  	s30 =	sshrl.u32 s31, $0x4;
	[tilespmem:s24+$0x10] =	vst v3;
	s29 =	sand.u32 $0xE0, s29  }
0x3a: {  	s31 =	smulhi.u32 $0x55555556, s30;
	v3 =	vld [tilespmem:s29+$0x500];
	_ =	sdelay $0x1  }
0x3b: {  	s31 =	smul.u32 $0x3, s31;
	_ =	sdelay $0x1  }
0x3c: {  	s30 =	ssub.s32 s30, s31  }
0x3d: {  	p1 =	slt.u32 s26, $0x18;
	s31 =	smulhi.u32 $0x38E38E39, s26;
	p2 =	sne.s32 s30, $0x0;
	[tilespmem:s24+$0x20] =	vst v3  }
0x3e: {  	p1 =	por !p1, !p2;
	v3 =	vld [tilespmem:s29+$0x510]  }
0x3f: {  	s29 =	sshrl.u32 s31, $0x4;
	s31 =	simm.s32 $0x1;
	p1 =	por !p1, !p1  }
0x40: {  	s31 =	simm.s32 @!p1 $0x0  }
0x41: {  	s29 =	ssub.s32 s29, s31  }
0x42: {  	s29 =	sshll.u32 s29, $0x7  }
0x43: {  	s29 =	sshra.s32 s29, $0x2;
	[tilespmem:s24+$0x30] =	vst v3  }
0x44: {  	v3 =	vld [tilespmem:s29+$0x400];
	_ =	sdelay $0x3  }
0x45: {  	s24 =	sadd.s32 $0x80, s24  }
0x46: {  	[tilespmem:s24+$0xFFFFFFC0] =	vst v3  }
0x47: {  	v3 =	vld [tilespmem:s29+$0x410];
	_ =	sdelay $0x3  }
0x48: {  	s29 =	sshll.u32 s30, $0x5  }
0x49: {  	s30 =	sor.u32 $0x500, s29;
	[tilespmem:s24+$0xFFFFFFD0] =	vst v3  }
0x4a: {  	v3 =	vld [tilespmem:s30+$0x0]  }
0x4b: {  	s25 =	sadd.s32 $0x1, s25  }
0x4c: {  	s30 =	smulhi.u32 $0xAAAAAAAB, s25;
	_ =	sdelay $0x1  }
0x4d: {  	s30 =	sshrl.u32 s30, $0x4  }
0x4e: {  	s29 =	sor.u32 $0x510, s29;
	s30 =	smul.u32 $0xFFFFFFE8, s30;
	[tilespmem:s24+$0xFFFFFFE0] =	vst v3  }
0x4f: {  	v3 =	vld [tilespmem:s29+$0x0]  }
0x50: {  	s29 =	sadd.s32 s30, s26  }
0x51: {  	s26 =	smul.u32 $0xAB, s29;
	_ =	sdelay $0x1  }
0x52: {  	s30 =	sshrl.u32 s26, $0x4  }
0x53: {  	s30 =	sand.u32 $0xFE0, s30;
	[tilespmem:s24+$0xFFFFFFF0] =	vst v3  }
0x54: {  	v3 =	vld [tilespmem:s30+$0x400];
	_ =	sdelay $0x3  }
.Ltmp0:
0x55: {  	(pc) =	sbr.rel @p0 .LBB2_2-.Ltmp0, $4  }
0x56: {  	[tilespmem:s24+$0x0] =	vst v3  }
0x57: {  	s26 =	sshrl.u32 s26, $0x9;
	v3 =	vld [tilespmem:s30+$0x410]  }
0x58: {  	s30 =	smul.u32 $0x3, s26  }
0x59: {  	s26 =	sadd.s32 s28, s8;
	s28 =	sadd.s32 $0x1, s28  }
0x5a: {  	s28 =	smulhi.u32 $0xAAAAAAAB, s26;
	s29 =	ssub.s32 s29, s30  }
0x5b: {  	s29 =	sshll.u32 s29, $0x5  }
0x5c: {  	s28 =	sshrl.u32 s28, $0x4;
	[tilespmem:s24+$0x10] =	vst v3;
	s29 =	sand.u32 $0xE0, s29  }
0x5d: {  	s31 =	smulhi.u32 $0x55555556, s28;
	v3 =	vld [tilespmem:s29+$0x500];
	_ =	sdelay $0x1  }
0x5e: {  	s30 =	smul.u32 $0x3, s31;
	_ =	sdelay $0x1  }
0x5f: {  	s28 =	ssub.s32 s28, s30  }
0x60: {  	p0 =	slt.u32 s26, $0x18;
	p1 =	sne.s32 s28, $0x0;
	[tilespmem:s24+$0x20] =	vst v3  }
0x61: {  	s31 =	smulhi.u32 $0x38E38E39, s26;
	p0 =	por !p0, !p1;
	v3 =	vld [tilespmem:s29+$0x510]  }
0x62: {  	s29 =	simm.s32 $0x1;
	p0 =	por !p0, !p0  }
0x63: {  	s30 =	sshrl.u32 s31, $0x4;
	s29 =	simm.s32 @!p0 $0x0  }
0x64: {  	s29 =	ssub.s32 s30, s29  }
0x65: {  	s29 =	sshll.u32 s29, $0x7  }
0x66: {  	s29 =	sshra.s32 s29, $0x2;
	[tilespmem:s24+$0x30] =	vst v3  }
0x67: {  	v3 =	vld [tilespmem:s29+$0x400];
	_ =	sdelay $0x3  }
0x68: {  	s24 =	sadd.s32 $0x80, s24  }
0x69: {  	[tilespmem:s24+$0xFFFFFFC0] =	vst v3  }
0x6a: {  	v3 =	vld [tilespmem:s29+$0x410];
	_ =	sdelay $0x3  }
0x6b: {  	s28 =	sshll.u32 s28, $0x5  }
0x6c: {  	s31 =	sor.u32 $0x500, s28;
	[tilespmem:s24+$0xFFFFFFD0] =	vst v3  }
0x6d: {  	v3 =	vld [tilespmem:s31+$0x0]  }
0x6e: {  	s25 =	sadd.s32 $0x1, s25  }
0x6f: {  	s25 =	smulhi.u32 $0xAAAAAAAB, s25;
	_ =	sdelay $0x1  }
0x70: {  	s25 =	sshrl.u32 s25, $0x4  }
0x71: {  	s25 =	smul.u32 $0xFFFFFFE8, s25;
	s28 =	sor.u32 $0x510, s28;
	[tilespmem:s24+$0xFFFFFFE0] =	vst v3  }
0x72: {  	v3 =	vld [tilespmem:s28+$0x0]  }
0x73: {  	s25 =	sadd.s32 s25, s26  }
0x74: {  	s26 =	smul.u32 $0xAB, s25;
	_ =	sdelay $0x1  }
0x75: {  	s30 =	sshrl.u32 s26, $0x4  }
0x76: {  	s28 =	sand.u32 $0xFE0, s30;
	[tilespmem:s24+$0xFFFFFFF0] =	vst v3  }
0x77: {  	v3 =	vld [tilespmem:s28+$0x400];
	_ =	sdelay $0x4  }
0x78: {  	[tilespmem:s24+$0x0] =	vst v3  }
0x79: {  	s26 =	sshrl.u32 s26, $0x9;
	v3 =	vld [tilespmem:s28+$0x410]  }
0x7a: {  	s26 =	smul.u32 $0x3, s26;
	_ =	sdelay $0x1  }
0x7b: {  	s25 =	ssub.s32 s25, s26  }
0x7c: {  	s25 =	sshll.u32 s25, $0x5  }
0x7d: {  	s25 =	sand.u32 $0xE0, s25;
	[tilespmem:s24+$0x10] =	vst v3  }
0x7e: {  	v3 =	vld [tilespmem:s25+$0x500];
	_ =	sdelay $0x4  }
0x7f: {  	[tilespmem:s24+$0x20] =	vst v3  }
0x80: {  	v3 =	vld [tilespmem:s25+$0x510];
	_ =	sdelay $0x4  }
0x81: {  	[tilespmem:s24+$0x30] =	vst v3  }
0x82: {  	[spmem:s9] =	stream.linear.scatter [tilespmem:s17], [sflag:$0x2], $0x1200, $0x38;
	[tilespmem:$0xAC80] =	vst v63  }
0x83: {  	_ =	swait.ge [sflag:s16], $0x200  }
0x84: {  	[sflag:s16] =	ssyncset.done $0x0  }
0x85: {  	[sflag:s16] =	ssyncadd.s32 $0xFFFFFE00  }
0x86: {  	_ =	swait.ge [sflag:s16], $0x200  }
0x87: {  	[sflag:s16] =	ssyncset.done $0x0  }
0x88: {  	s31 =	simm.s32 $0x0;
	[sflag:s16] =	ssyncadd.s32 $0xFFFFFE00  }
0x89: {  	v3 =	vld [tilespmem:s31+$0x200]  }
0x8a: {  	v5 =	vld [tilespmem:s31+$0x0];
	_ =	sdelay $0x1  }
0x8b: {  	v4 =	vld [tilespmem:s31+$0x210];
	_ =	sdelay $0x1  }
0x8c: {  	vm1 =	veq.s32 v3, $0x0;
	vm2 =	veq.s32 v3, $0x1  }
0x8d: {  	vm3 =	veq.s32 v5, $0x32;
	vm4 =	veq.s32 v5, $0x38;
	vm5 =	veq.s32 v5, $0x1  }
0x8e: {  	vm6 =	veq.s32 v5, $0x12;
	vm7 =	veq.s32 v5, $0x2D;
	v3 =	vsel vm1, $0x1, v1  }
0x8f: {  	v6 =	vsel vm2, $0x2, v1;
	vm1 =	veq.s32 v4, $0x0;
	vm2 =	veq.s32 v4, $0x1;
	v4 =	vld [tilespmem:s31+$0x10]  }
0x90: {  	v7 =	vsel vm5, $0x1, v1;
	v8 =	vsel vm6, $0x2, v1;
	vm5 =	veq.s32 v5, $0x19  }
0x91: {  	v7 =	vor.u32 v7, v8;
	v57 =	vsel vm5, $0x3, v1;
	vm5 =	veq.s32 v5, $0x23  }
0x92: {  	v58 =	vsel vm4, $0x7, v1;
	v5 =	vadd.s32 v57, v7;
	v7 =	vsel vm5, $0x4, v1  }
0x93: {  	v9 =	vsel vm3, $0x6, v1;
	v5 =	vadd.s32 v7, v5;
	v7 =	vsel vm7, $0x5, v1  }
0x94: {  	v5 =	vadd.s32 v7, v5;
	vm3 =	veq.s32 v4, $0x1;
	vm4 =	veq.s32 v4, $0x12  }
0x95: {  	v7 =	vsel vm3, $0x1, v1;
	v10 =	vsel vm4, $0x2, v1;
	vm3 =	veq.s32 v4, $0x19  }
0x96: {  	v7 =	vor.u32 v7, v10;
	v59 =	vsel vm3, $0x3, v1;
	vm3 =	veq.s32 v4, $0x23  }
0x97: {  	v7 =	vadd.s32 v59, v7;
	v60 =	vsel vm3, $0x4, v1;
	vm3 =	veq.s32 v4, $0x2D  }
0x98: {  	v7 =	vadd.s32 v60, v7;
	v61 =	vsel vm3, $0x5, v1;
	vm3 =	veq.s32 v4, $0x32  }
0x99: {  	v7 =	vadd.s32 v61, v7;
	v62 =	vsel vm3, $0x6, v1;
	vm3 =	veq.s32 v4, $0x38  }
0x9a: {  	v4 =	vadd.s32 v9, v5;
	v5 =	vadd.s32 v62, v7;
	v7 =	vsel vm3, $0x7, v1  }
0x9b: {  	v63 =	vsel vm2, $0x2, v1;
	v4 =	vadd.s32 v58, v4;
	v5 =	vadd.s32 v7, v5  }
0x9c: {  	v7 =	vsel vm1, $0x1, v1;
	v4 =	vmul.u32 $0x3, v4;
	v5 =	vmul.u32 $0x3, v5  }
0x9d: {  	v3 =	vor.u32 v3, v6;
	v6 =	vor.u32 v7, v63  }
0x9e: {  	v3 =	vadd.s32 v3, v4;
	v4 =	vadd.s32 v6, v5  }
0x9f: {  	v5 =	vperm.xlane v3, v0;
	v6 =	vperm.xlane v4, v0;
	_ =	sdelay $0x1  }
0xa0: {  	v3 =	vperm.xlane v3, v2;
	v4 =	vperm.xlane v4, v2;
	v5 =	vsel vm0, v5, v6  }
0xa1: {  	v5 =	vmul.u32 $0x18, v5  }
0xa2: {  	v3 =	vsel vm0, v3, v4  }
0xa3: {  	s24 =	simm.s32 $0x1980;
	v3 =	vadd.s32 v5, v3  }
0xa4: {  	s26 =	simm.s32 $0x20;
	[tilespmem:s24+$0x0] =	vst v3  }
0xa5: {  	v3 =	vld [tilespmem:s26+$0x200]  }
0xa6: {  	v5 =	vld [tilespmem:s26+$0x0]  }
0xa7: {  	v6 =	vld [tilespmem:s26+$0x210];
	_ =	sdelay $0x2  }
0xa8: {  	vm1 =	veq.s32 v3, $0x0;
	vm2 =	veq.s32 v3, $0x1  }
0xa9: {  	vm3 =	veq.s32 v5, $0x32;
	vm4 =	veq.s32 v5, $0x38;
	v3 =	vsel vm1, $0x1, v1  }
0xaa: {  	s25 =	simm.s32 $0x100;
	v4 =	vsel vm2, $0x2, v1;
	vm1 =	veq.s32 v6, $0x0;
	vm2 =	veq.s32 v6, $0x1  }
.LBB2_4:
0xab: {  	p0 =	sne.s32 s25, $0x780;
	vm5 =	veq.s32 v5, $0x1;
	vm6 =	veq.s32 v5, $0x12;
	vm7 =	veq.s32 v5, $0x2D;
	v6 =	vld [tilespmem:s26+$0x10]  }
0xac: {  	v7 =	vsel vm5, $0x1, v1;
	v8 =	vsel vm6, $0x2, v1;
	vm5 =	veq.s32 v5, $0x19  }
0xad: {  	v7 =	vor.u32 v7, v8;
	v8 =	vsel vm5, $0x3, v1;
	vm5 =	veq.s32 v5, $0x23  }
0xae: {  	v5 =	vadd.s32 v8, v7;
	v7 =	vsel vm5, $0x4, v1;
	v8 =	vsel vm4, $0x7, v1  }
0xaf: {  	v9 =	vsel vm3, $0x6, v1;
	v5 =	vadd.s32 v7, v5;
	v7 =	vsel vm7, $0x5, v1  }
0xb0: {  	v5 =	vadd.s32 v7, v5;
	vm3 =	veq.s32 v6, $0x1;
	vm4 =	veq.s32 v6, $0x12  }
0xb1: {  	v7 =	vsel vm3, $0x1, v1;
	v10 =	vsel vm4, $0x2, v1;
	vm3 =	veq.s32 v6, $0x19  }
0xb2: {  	v7 =	vor.u32 v7, v10;
	v10 =	vsel vm3, $0x3, v1;
	vm3 =	veq.s32 v6, $0x23  }
0xb3: {  	v7 =	vadd.s32 v10, v7;
	v10 =	vsel vm3, $0x4, v1;
	vm3 =	veq.s32 v6, $0x2D  }
0xb4: {  	v7 =	vadd.s32 v10, v7;
	v10 =	vsel vm3, $0x5, v1;
	vm3 =	veq.s32 v6, $0x32  }
0xb5: {  	v7 =	vadd.s32 v10, v7;
	v10 =	vsel vm3, $0x6, v1;
	vm3 =	veq.s32 v6, $0x38  }
0xb6: {  	v5 =	vadd.s32 v9, v5;
	v6 =	vadd.s32 v10, v7;
	v7 =	vsel vm3, $0x7, v1  }
0xb7: {  	v5 =	vadd.s32 v8, v5;
	v6 =	vadd.s32 v7, v6;
	v7 =	vsel vm1, $0x1, v1  }
0xb8: {  	v8 =	vsel vm2, $0x2, v1;
	v5 =	vmul.u32 $0x3, v5;
	v6 =	vmul.u32 $0x3, v6  }
0xb9: {  	v3 =	vor.u32 v3, v4;
	v4 =	vor.u32 v7, v8  }
0xba: {  	v3 =	vadd.s32 v3, v5;
	v4 =	vadd.s32 v4, v6  }
0xbb: {  	v5 =	vperm.xlane v3, v0;
	v6 =	vperm.xlane v4, v0;
	_ =	sdelay $0x1  }
0xbc: {  	v3 =	vperm.xlane v3, v2;
	v4 =	vperm.xlane v4, v2;
	v5 =	vsel vm0, v5, v6  }
0xbd: {  	v5 =	vmul.u32 $0x18, v5  }
0xbe: {  	v3 =	vsel vm0, v3, v4  }
0xbf: {  	s24 =	sadd.s32 $0x10, s24;
	v3 =	vadd.s32 v5, v3  }
0xc0: {  	s26 =	sshra.s32 s25, $0x2;
	[tilespmem:s24+$0x0] =	vst v3  }
0xc1: {  	v3 =	vld [tilespmem:s26+$0x200]  }
0xc2: {  	v6 =	vld [tilespmem:s26+$0x210]  }
0xc3: {  	v5 =	vld [tilespmem:s26+$0x0]  }
.Ltmp1:
0xc4: {  	(pc) =	sbr.rel @p0 .LBB2_4-.Ltmp1, $4  }
0xc5: {  	_ = 	snop  }
0xc6: {  	vm1 =	veq.s32 v3, $0x0;
	vm2 =	veq.s32 v3, $0x1  }
0xc7: {  	v3 =	vsel vm1, $0x1, v1;
	v4 =	vsel vm2, $0x2, v1;
	vm1 =	veq.s32 v6, $0x0  }
0xc8: {  	s25 =	sadd.s32 $0x80, s25;
	vm2 =	veq.s32 v6, $0x1;
	vm3 =	veq.s32 v5, $0x32;
	vm4 =	veq.s32 v5, $0x38  }
0xc9: {  	vm5 =	veq.s32 v5, $0x1;
	vm6 =	veq.s32 v5, $0x12;
	vm7 =	veq.s32 v5, $0x2D;
	v6 =	vld [tilespmem:s26+$0x10]  }
0xca: {  	vm13 =	veq.s32 v5, $0x19;
	v7 =	vsel vm5, $0x1, v1;
	v8 =	vsel vm6, $0x2, v1  }
0xcb: {  	vm14 =	veq.s32 v5, $0x23;
	v49 =	vsel vm13, $0x3, v1;
	v7 =	vor.u32 v7, v8  }
0xcc: {  	v52 =	vsel vm4, $0x7, v1;
	v51 =	vsel vm14, $0x4, v1;
	v50 =	vadd.s32 v49, v7  }
0xcd: {  	v9 =	vsel vm3, $0x6, v1;
	v53 =	vsel vm7, $0x5, v1;
	v5 =	vadd.s32 v51, v50  }
0xce: {  	v5 =	vadd.s32 v53, v5;
	vm3 =	veq.s32 v6, $0x1;
	vm15 =	veq.s32 v6, $0x12  }
0xcf: {  	v54 =	vsel vm3, $0x1, v1;
	v10 =	vsel vm15, $0x2, v1;
	vm3 =	veq.s32 v6, $0x19  }
0xd0: {  	v7 =	vor.u32 v54, v10;
	v55 =	vsel vm3, $0x3, v1;
	vm3 =	veq.s32 v6, $0x23  }
0xd1: {  	v7 =	vadd.s32 v55, v7;
	v56 =	vsel vm3, $0x4, v1;
	vm3 =	veq.s32 v6, $0x2D  }
0xd2: {  	v7 =	vadd.s32 v56, v7;
	v57 =	vsel vm3, $0x5, v1;
	vm3 =	veq.s32 v6, $0x32  }
0xd3: {  	v7 =	vadd.s32 v57, v7;
	v58 =	vsel vm3, $0x6, v1;
	vm3 =	veq.s32 v6, $0x38  }
0xd4: {  	v5 =	vadd.s32 v9, v5;
	v59 =	vadd.s32 v58, v7;
	v60 =	vsel vm3, $0x7, v1  }
0xd5: {  	v61 =	vsel vm1, $0x1, v1;
	v5 =	vadd.s32 v52, v5;
	v6 =	vadd.s32 v60, v59  }
0xd6: {  	v62 =	vsel vm2, $0x2, v1;
	v5 =	vmul.u32 $0x3, v5;
	v6 =	vmul.u32 $0x3, v6  }
0xd7: {  	v3 =	vor.u32 v3, v4;
	v63 =	vor.u32 v61, v62  }
0xd8: {  	v3 =	vadd.s32 v3, v5;
	v4 =	vadd.s32 v63, v6  }
0xd9: {  	v5 =	vperm.xlane v3, v0;
	v6 =	vperm.xlane v4, v0;
	_ =	sdelay $0x1  }
0xda: {  	v3 =	vperm.xlane v3, v2;
	v4 =	vperm.xlane v4, v2;
	v5 =	vsel vm0, v5, v6  }
0xdb: {  	v5 =	vmul.u32 $0x18, v5  }
0xdc: {  	v3 =	vsel vm0, v3, v4  }
0xdd: {  	s24 =	sadd.s32 $0x10, s24;
	v3 =	vadd.s32 v5, v3  }
0xde: {  	[tilespmem:s24+$0x0] =	vst v3  }
0xdf: {  	_ =	swait.ge [sflag:s18], $0x1200  }
0xe0: {  	[sflag:s18] =	ssyncset.done $0x0  }
0xe1: {  	[sflag:s18] =	ssyncadd.s32 $0xFFFFEE00  }
0xe2: {  	[bflag:$0x0] =	sbarrier.arrive $0xFFFF  }
0xe3: {  	[tilespmem:s21], [sflag:$0x3] =	stream.indirect.gather [spmem:s1], $0x80, s20, s19, $0xb8;
	[tilespmem:$0xAC80] =	vst v63  }
0xe4: {  	s23 =	sadd.s32 $0x1, s23;
	_ =	swait.ge [sflag:s15], $0x8000  }
0xe5: {  	p0 =	sne.s32 s23, s11;
	[sflag:s15] =	ssyncset.done $0x0  }
.Ltmp2:
0xe6: {  	[sflag:s15] =	ssyncadd.s32 $0xFFFF8000;
	(pc) =	sbr.rel @p0 .LBB2_1-.Ltmp2, $4  }
0xe7: {  	[hbm4b:s10+s3] =	stream.linear.scatter [tilespmem:s21], [sflag:$0x4], $0x8000, $0x38;
	[tilespmem:$0xAC80] =	vst v63  }
0xe8: {  	_ =	swait.ge [sflag:s22], $0x8000  }
0xe9: {  	[sflag:s22] =	ssyncset.done $0x0  }
0xea: {  	[sflag:s22] =	ssyncadd.s32 $0xFFFF8000  }
0xeb: {  	_ =	sfence.sel $0x180000  }
0xec: {  	[bflag:$0x0] =	sbarrier.arrive $0xFFFF  }
0xed: {  	p0 =	sne.s32 s2, $0x0;
	_ =	strace $0x90000047  }
0xee: {  	s0 =	sadd.s32 @!p0 $0x100000, s0;
	[bflag:$0x2] =	sbarrier.arrive $0xFFFF  }
0xef: {  	[sflag:s0] =	ssyncadd.tile.s32 @!p0 $0x1;
	_ =	shalt  }
.Lfunc_end2:
_tile_overlayer_lowered:
.L_overlay_start_2:
0xf0: {  	(tag) =	ssettag $0x2  }
0xf1: {  	s0 =	rddreg [dreg:$0x0];
	s2 =	stileid.u32  }
0xf2: {  	s1 =	rddreg [dreg:$0x1];
	p0 =	sne.s32 s2, $0x0  }
0xf3: {  	s3 =	rddreg [dreg:$0x2];
	[bflag:$0x3] =	sbarrier.arrive $0xFFFF;
	s2 =	simm.s32 @!p0 $0x1C04  }
0xf4: {  	[timem:s3], [sflag:s2] =	dma.local @!p0 [hbm:s0], s1  }
0xf5: {  	s0 =	simm.s32 @!p0 $0x4  }
0xf6: {  	_ =	swait.ge @!p0 [sflag:s0], s1  }
0xf7: {  	s1 =	ssub.s32 @!p0 $0x0, s1;
	[sflag:s0] =	ssyncset.done @!p0 $0x0  }
0xf8: {  	[sflag:s0] =	ssyncadd.s32 @!p0 s1  }
0xf9: {  	[bflag:$0x3] =	sbarrier.arrive $0xFFFF  }
0xfa: {  	_ =	shalt  }

</sc_bundles>
